<compile_context>
chip_gen: v7x
topology: tpu7x:2x2x1
jax: 0.10.2.dev20260603
libtpu: 0.0.44.dev20260713+nightly
codegen_flags: <defaults>
</compile_context>

<pallas_src>
import jax
import jax.numpy as jnp
from jax import lax
from jax.experimental import pallas as pl
from jax.experimental.pallas import tpu as pltpu
from jax.experimental.pallas import tpu_sc as plsc

_H = 64
_G2 = 64
_N = 64
_S = 64
_A = 1024
_CH = 8
_NEIGH = 2.0
_GRID = 8

_NW = 32
_IPC = 16
_CPS = _N // _IPC
_CPW = _S * _CPS // _NW
_ACC = _IPC * _G2 * _H


def _sc_pool_body(h_hbm, xs_hbm, ys_hbm, xr_hbm, yr_hbm, out_hbm,
                  h_v, xs_v, ys_v, xr_v, yr_v, acc_v, rids_v):
    wid = lax.axis_index("s") * 2 + lax.axis_index("c")
    zero16 = jnp.zeros((16,), jnp.float32)
    lane = lax.iota(jnp.int32, 16)
    dump = _IPC * _G2

    def chunk_body(t, _):
        cg = wid * _CPW + t
        sc = cg // _CPS
        ib = cg % _CPS

        def zero_body(r, _):
            for z in range(16):
                acc_v[pl.ds(r * 256 + z * 16, 16)] = zero16
            return 0
        lax.fori_loop(0, (_ACC + _H + 255) // 256, zero_body, 0)

        pltpu.sync_copy(h_hbm.at[pl.ds(sc * _N * _H, _N * _H)], h_v)
        pltpu.sync_copy(xs_hbm.at[pl.ds(sc * _N, _N)], xs_v)
        pltpu.sync_copy(ys_hbm.at[pl.ds(sc * _N, _N)], ys_v)
        pltpu.sync_copy(xr_hbm.at[pl.ds(sc * _N * 16, _N * 16)], xr_v)
        pltpu.sync_copy(yr_hbm.at[pl.ds(sc * _N * 16, _N * 16)], yr_v)

        def i_body(il, _):
            ig = ib * _IPC + il
            xi = xr_v[pl.ds(ig * 16, 16)]
            yi = yr_v[pl.ds(ig * 16, 16)]
            tlx = xi - _NEIGH / 2
            tly = yi + _NEIGH / 2
            brx = xi + _NEIGH / 2
            bry = yi - _NEIGH / 2
            zf = jnp.zeros((16,), jnp.float32)
            for jv in range(_N // 16):
                xj = xs_v[pl.ds(jv * 16, 16)]
                yj = ys_v[pl.ds(jv * 16, 16)]
                cx = ((xj - tlx) * (_GRID / _NEIGH)).astype(jnp.int32)
                cy = ((tly - yj) * (_GRID / _NEIGH)).astype(jnp.int32)
                okf = (jnp.sign(jnp.maximum(brx - xj, zf))
                       * jnp.sign(jnp.maximum(xj - tlx, zf))
                       * jnp.sign(jnp.maximum(tly - yj, zf))
                       * jnp.sign(jnp.maximum(yj - bry, zf))
                       * jnp.sign(jnp.abs((jv * 16 + lane - ig)
                                          .astype(jnp.float32))))
                oki = okf.astype(jnp.int32)
                cell = cx + _GRID * cy
                rid = oki * (il * _G2 + cell) + (1 - oki) * dump
                rids_v[pl.ds((il * 4 + jv) * 16, 16)] = rid
            return 0
        lax.fori_loop(0, _IPC, i_body, 0)

        def p_body(q, _):
            for s in range(4):
                p = q * 4 + s
                rid = rids_v[pl.ds(p, 16)][0]

                @pl.when(rid != dump)
                def _():
                    jl = p % _N
                    for k in range(_H // 16):
                        v = h_v[pl.ds(jl * _H + k * 16, 16)]
                        plsc.addupdate(
                            acc_v.at[pl.ds(rid * _H + k * 16, 16)], v)
            return 0
        lax.fori_loop(0, _IPC * _N // 4, p_body, 0)

        pltpu.sync_copy(acc_v.at[pl.ds(0, _ACC)],
                        out_hbm.at[pl.ds(cg * _ACC, _ACC)])
        return 0
    lax.fori_loop(0, _CPW, chunk_body, 0)


def _sc_pool(h_flat, xs, ys):
    xrep = jnp.repeat(xs, 16)
    yrep = jnp.repeat(ys, 16)
    mesh = plsc.VectorSubcoreMesh(core_axis_name="c", subcore_axis_name="s")
    fn = pl.kernel(
        _sc_pool_body, mesh=mesh,
        out_type=jax.ShapeDtypeStruct((_S * _N * _G2 * _H,), jnp.float32),
        scratch_types=[
            pltpu.VMEM((_N * _H,), jnp.float32),
            pltpu.VMEM((_N,), jnp.float32),
            pltpu.VMEM((_N,), jnp.float32),
            pltpu.VMEM((_N * 16,), jnp.float32),
            pltpu.VMEM((_N * 16,), jnp.float32),
            pltpu.VMEM((_ACC + 256,), jnp.float32),
            pltpu.VMEM((_IPC * _N + 16,), jnp.int32),
        ],
    )
    return fn(h_flat.reshape(-1), xs, ys, xrep, yrep)


def _att_kernel(enc_ref, h_ref, ep_ref, rp_ref, wenc_ref, wdec_ref,
                wembed_ref, wembatt_ref, wfullt_ref, wout_ref, wmlp_ref,
                batt_ref, bembed_ref, bout_ref, bmlp_ref, x_ref):
    ch = h_ref[...]
    ep = ep_ref[...]
    rp = rp_ref[...]
    enc = enc_ref[...]

    emb = jnp.dot(jnp.concatenate([ep, rp], axis=1), wembed_ref[...],
                  preferred_element_type=jnp.float32) + bembed_ref[...]
    c = (jnp.dot(ch, wdec_ref[...], preferred_element_type=jnp.float32)
         + jnp.dot(emb, wembatt_ref[...], preferred_element_type=jnp.float32)
         + batt_ref[...])

    wenc = wenc_ref[...]
    wf = wfullt_ref[...].reshape(1, 1, _A)
    att_rows = []
    for t in range(_N // _CH):
        encc = enc[t * _CH * _G2:(t + 1) * _CH * _G2]
        a1 = jnp.dot(encc, wenc, preferred_element_type=jnp.float32)
        a1 = a1.reshape(_CH, _G2, _A) + c[t * _CH:(t + 1) * _CH][:, None, :]
        att_rows.append(jnp.sum(jnp.maximum(a1, 0.0) * wf, axis=2))
    att = jnp.concatenate(att_rows, axis=0)

    att = att - jnp.max(att, axis=1, keepdims=True)
    e = jnp.exp(att)
    alpha = e / jnp.sum(e, axis=1, keepdims=True)
    enc3 = enc.reshape(_N, _G2, _H)
    awe = jnp.sum(enc3 * alpha[:, :, None], axis=1)

    ph = jnp.dot(jnp.concatenate([awe, ch], axis=1), wout_ref[...],
                 preferred_element_type=jnp.float32) + bout_ref[...]
    x_ref[...] = jnp.dot(ph, wmlp_ref[...],
                         preferred_element_type=jnp.float32) + bmlp_ref[...]


def _bn_kernel(x_ref, g_ref, b_ref, o_ref):
    x = x_ref[...]
    m = jnp.mean(x, axis=0, keepdims=True)
    v = jnp.mean((x - m) ** 2, axis=0, keepdims=True)
    y = (x - m) / jnp.sqrt(v + 1e-5) * g_ref[...] + b_ref[...]
    o_ref[...] = jnp.maximum(y, 0.0)


def kernel(h_states, seq_start_end, end_pos, rel_pos, params):
    del seq_start_end
    h_flat = h_states.reshape(-1, _H)
    p = params
    b_att = (p['b_enc'] + p['b_dec'] + p['b_embatt']).reshape(1, _A)
    wfull_t = p['W_full'].reshape(1, _A)

    enc = _sc_pool(h_flat, end_pos[:, 0], end_pos[:, 1])
    enc = enc.reshape(_S * _N * _G2, _H)

    rep = lambda s: (0, 0)
    x_pre = pl.pallas_call(
        _att_kernel,
        grid=(_S,),
        in_specs=[
            pl.BlockSpec((_N * _G2, _H), lambda s: (s, 0)),
            pl.BlockSpec((_N, _H), lambda s: (s, 0)),
            pl.BlockSpec((_N, 2), lambda s: (s, 0)),
            pl.BlockSpec((_N, 2), lambda s: (s, 0)),
            pl.BlockSpec((_H, _A), rep),
            pl.BlockSpec((_H, _A), rep),
            pl.BlockSpec((4, 4), rep),
            pl.BlockSpec((4, _A), rep),
            pl.BlockSpec((1, _A), rep),
            pl.BlockSpec((2 * _H, _A), rep),
            pl.BlockSpec((_A, _A), rep),
            pl.BlockSpec((1, _A), rep),
            pl.BlockSpec((1, 4), rep),
            pl.BlockSpec((1, _A), rep),
            pl.BlockSpec((1, _A), rep),
        ],
        out_specs=pl.BlockSpec((_N, _A), lambda s: (s, 0)),
        out_shape=jax.ShapeDtypeStruct((_S * _N, _A), jnp.float32),
    )(enc, h_flat, end_pos, rel_pos, p['W_enc'], p['W_dec'], p['W_embed'],
      p['W_embatt'], wfull_t, p['W_out'], p['W_mlp'], b_att,
      p['b_embed'].reshape(1, 4), p['b_out'].reshape(1, _A),
      p['b_mlp'].reshape(1, _A))

    _CB = 256
    out = pl.pallas_call(
        _bn_kernel,
        grid=(_A // _CB,),
        in_specs=[
            pl.BlockSpec((_S * _N, _CB), lambda c: (0, c)),
            pl.BlockSpec((1, _CB), lambda c: (0, c)),
            pl.BlockSpec((1, _CB), lambda c: (0, c)),
        ],
        out_specs=pl.BlockSpec((_S * _N, _CB), lambda c: (0, c)),
        out_shape=jax.ShapeDtypeStruct((_S * _N, _A), jnp.float32),
    )(x_pre, p['bn_gamma'].reshape(1, _A), p['bn_beta'].reshape(1, _A))
    return out

# --- scband reference (transcript-rebuilt; emitter-appended) ---
"""Pipeline reference for scband-social-pooling-attention-223338299638 (READ-ONLY COPY).

The authoritative reference and input builder live on the scoring server;
editing this copy changes nothing except your own understanding.
"""

import jax, jax.numpy as jnp
import numpy as np

H_DIM = 64
BOTTLENECK = 1024
EMBED_DIM = 4
GRID = 8
NEIGH = 2.0
N_PED = 4096
PED_PER_SCENE = 64


def setup_inputs(seed: int = 0) -> dict:
    key = jax.random.key(seed)
    ks = jax.random.split(key, 12)
    h_states = jax.random.normal(ks[0], (1, N_PED, H_DIM), jnp.float32)
    end_pos = jax.random.uniform(ks[1], (N_PED, 2), jnp.float32, -5.0, 5.0)
    rel_pos = jax.random.normal(ks[2], (N_PED, 2), jnp.float32) * 0.1
    b = np.arange(0, N_PED + 1, PED_PER_SCENE)
    seq_start_end = np.stack([b[:-1], b[1:]], axis=1).astype(np.int64)

    def lin(k, i, o):
        return jax.random.normal(k, (i, o), jnp.float32) * (1.0 / np.sqrt(i))

    params = {
        'W_enc': lin(ks[3], H_DIM, BOTTLENECK), 'b_enc': jnp.zeros((BOTTLENECK,), jnp.float32),
        'W_dec': lin(ks[4], H_DIM, BOTTLENECK), 'b_dec': jnp.zeros((BOTTLENECK,), jnp.float32),
        'W_embed': lin(ks[5], 4, EMBED_DIM), 'b_embed': jnp.zeros((EMBED_DIM,), jnp.float32),
        'W_embatt': lin(ks[6], EMBED_DIM, BOTTLENECK), 'b_embatt': jnp.zeros((BOTTLENECK,), jnp.float32),
        'W_full': lin(ks[7], BOTTLENECK, 1), 'b_full': jnp.zeros((1,), jnp.float32),
        'W_out': lin(ks[8], 2 * H_DIM, BOTTLENECK), 'b_out': jnp.zeros((BOTTLENECK,), jnp.float32),
        'W_mlp': lin(ks[9], BOTTLENECK, BOTTLENECK), 'b_mlp': jnp.zeros((BOTTLENECK,), jnp.float32),
        'bn_gamma': jnp.ones((BOTTLENECK,), jnp.float32), 'bn_beta': jnp.zeros((BOTTLENECK,), jnp.float32),
    }
    return {'h_states': h_states, 'seq_start_end': seq_start_end,
            'end_pos': end_pos, 'rel_pos': rel_pos, 'params': params}


def _social_pool(h_flat, seq_start_end, end_pos):
    G2 = GRID * GRID
    pools = []
    num_scenes = seq_start_end.shape[0]
    n = h_flat.shape[0] // num_scenes
    for i in range(num_scenes):
        start = seq_start_end[i, 0]
        ch = jax.lax.dynamic_slice_in_dim(h_flat, start, n, axis=0)   # (n, H)
        ch_rep = jnp.tile(ch, (n, 1))                # (n*n, H)  torch .repeat(n,1)
        cep = jax.lax.dynamic_slice_in_dim(end_pos, start, n, axis=0)
        tl = jnp.stack([cep[:, 0] - NEIGH / 2, cep[:, 1] + NEIGH / 2], axis=1)
        br = jnp.stack([cep[:, 0] + NEIGH / 2, cep[:, 1] - NEIGH / 2], axis=1)
        other = jnp.tile(cep, (n, 1))                # (n*n, 2)
        tlr = jnp.repeat(tl, n, axis=0)              # row-wise repeat (R1,R1,R2,R2)
        brr = jnp.repeat(br, n, axis=0)
        cell_x = jnp.floor((other[:, 0] - tlr[:, 0]) / NEIGH * GRID)
        cell_y = jnp.floor((tlr[:, 1] - other[:, 1]) / NEIGH * GRID)
        grid_pos = (cell_x + cell_y * GRID).astype(jnp.int32)
        x_b = (other[:, 0] >= brr[:, 0]) | (other[:, 0] <= tlr[:, 0])
        y_b = (other[:, 1] >= tlr[:, 1]) | (other[:, 1] <= brr[:, 1])
        within = x_b | y_b
        within = within.at[0::n + 1].set(True)       # exclude self pairs
        offset = jnp.repeat(jnp.arange(0, G2 * n, G2, dtype=jnp.int32), n)
        gp = grid_pos + 1 + offset
        gp = jnp.where(within, 0, gp)
        pool = jnp.zeros((n * G2 + 1, H_DIM), jnp.float32).at[gp].add(ch_rep, mode='drop')
        pools.append(pool[1:].reshape(n, G2, H_DIM))
    return jnp.concatenate(pools, axis=0)


def reference(h_states, seq_start_end, end_pos, rel_pos, params):
    h_flat = h_states.reshape(-1, H_DIM)
    enc = _social_pool(h_flat, seq_start_end, end_pos)        # (B, G2, H)
    curr_hidden = h_states[0]                                  # squeeze(0)
    embed_info = jnp.concatenate([end_pos, rel_pos], axis=1)   # (B, 4)
    # Attention_Decoder (Bahdanau-style over 8x8 social grid)
    emb = embed_info @ params['W_embed'] + params['b_embed']
    att1 = enc @ params['W_enc'] + params['b_enc']             # (B, G2, A)
    att2 = curr_hidden @ params['W_dec'] + params['b_dec']     # (B, A)
    att3 = emb @ params['W_embatt'] + params['b_embatt']       # (B, A)
    att = (jax.nn.relu(att1 + att2[:, None, :] + att3[:, None, :]) @ params['W_full'] + params['b_full'])[..., 0]
    alpha = jax.nn.softmax(att, axis=1)                        # (B, G2)
    awe = jnp.sum(enc * alpha[..., None], axis=1)              # (B, H)
    pool_h = jnp.concatenate([awe, curr_hidden], axis=1) @ params['W_out'] + params['b_out']
    # mlp_pool: Linear -> BatchNorm1d (train-mode batch stats) -> ReLU
    x = pool_h @ params['W_mlp'] + params['b_mlp']
    mean = jnp.mean(x, axis=0)
    var = jnp.var(x, axis=0)
    x = (x - mean) / jnp.sqrt(var + 1e-5) * params['bn_gamma'] + params['bn_beta']
    return jax.nn.relu(x)

if __name__ == "__main__":
    import jax
    _d = setup_inputs()
    print(jax.jit(kernel)(*tuple(_d.values())))

</pallas_src>

<mosaic_0001>
#map = affine_map<(d0, d1) -> (0)>
module attributes {stable_mosaic.version = 14 : i64} {
  func.func @_sc_pool_body(%arg0: i32, %arg1: i32, %arg2: memref<262144xf32, #tpu.memory_space<hbm>>, %arg3: memref<4096xf32, #tpu.memory_space<hbm>>, %arg4: memref<4096xf32, #tpu.memory_space<hbm>>, %arg5: memref<65536xf32, #tpu.memory_space<hbm>>, %arg6: memref<65536xf32, #tpu.memory_space<hbm>>, %arg7: memref<16777216xf32, #tpu.memory_space<hbm>>, %arg8: memref<4096xf32, #tpu.memory_space<vmem>>, %arg9: memref<64xf32, #tpu.memory_space<vmem>>, %arg10: memref<64xf32, #tpu.memory_space<vmem>>, %arg11: memref<1024xf32, #tpu.memory_space<vmem>>, %arg12: memref<1024xf32, #tpu.memory_space<vmem>>, %arg13: memref<65792xf32, #tpu.memory_space<vmem>>, %arg14: memref<1040xi32, #tpu.memory_space<vmem>>) attributes {dimension_semantics = [#tpu.dimension_semantics<core_parallel>, #tpu.dimension_semantics<subcore_parallel>], iteration_bounds = array<i64: 2, 16>, scalar_prefetch = 0 : i64, scratch_operands = 7 : i64, tpu.core_type = #tpu.core_type<sc_vector_subcore>, window_params = [{transform_indices = #map}, {transform_indices = #map}, {transform_indices = #map}, {transform_indices = #map}, {transform_indices = #map}, {transform_indices = #map}]} {
    %mul3A = arith.constant 2 : i32
    %mul3A_0 = arith.muli %arg1, %mul3A : i32
    %add3A = arith.addi %mul3A_0, %arg0 : i32
    %broadcast_in_dim3A = arith.constant 0.000000e+00 : f32
    %broadcast_in_dim3A_1 = vector.broadcast %broadcast_in_dim3A : f32 to vector<16xf32>
    %iota3A = tpu.iota {dimensions = array<i32: 0>} : vector<16xi32>
    %scan3A = arith.constant 0 : i32
    %scan3A_2 = arith.constant 0 : i32
    %scan3A_3 = arith.constant 8 : i32
    %scan3A_4 = arith.addi %scan3A_2, %scan3A_3 : i32
    %scan3A_5 = arith.constant 1 : i32
    %scan3A_6 = scf.for %scan3A_8 = %scan3A_2 to %scan3A_4 step %scan3A_5 iter_args(%scan3A_9 = %scan3A) -> (i32)  : i32 {
      %mul3A_10 = arith.constant 8 : i32
      %mul3A_11 = arith.muli %add3A, %mul3A_10 : i32
      %add3A_12 = arith.addi %mul3A_11, %scan3A_8 : i32
      %jit3A = arith.constant 4 : i32
      %div3A = arith.divsi %add3A_12, %jit3A : i32
      %sign3A = arith.constant 0 : i32
      %sign3A_13 = arith.cmpi sgt, %add3A_12, %sign3A : i32
      %sign3A_14 = arith.extui %sign3A_13 : i1 to i32
      %sign3A_15 = arith.constant 0 : i32
      %sign3A_16 = arith.cmpi slt, %add3A_12, %sign3A_15 : i32
      %sign3A_17 = arith.extui %sign3A_16 : i1 to i32
      %sign3A_18 = arith.subi %sign3A_14, %sign3A_17 : i32
      %sign3A_19 = arith.constant 0 : i32
      %sign3A_20 = arith.cmpi sgt, %jit3A, %sign3A_19 : i32
      %sign3A_21 = arith.extui %sign3A_20 : i1 to i32
      %sign3A_22 = arith.constant 0 : i32
      %sign3A_23 = arith.cmpi slt, %jit3A, %sign3A_22 : i32
      %sign3A_24 = arith.extui %sign3A_23 : i1 to i32
      %sign3A_25 = arith.subi %sign3A_21, %sign3A_24 : i32
      %ne3A = arith.cmpi ne, %sign3A_18, %sign3A_25 : i32
      %rem3A = arith.remsi %add3A_12, %jit3A : i32
      %ne3A_26 = arith.constant 0 : i32
      %ne3A_27 = arith.cmpi ne, %rem3A, %ne3A_26 : i32
      %and3A = arith.andi %ne3A, %ne3A_27 : i1
      %sub3A = arith.constant 1 : i32
      %sub3A_28 = arith.subi %div3A, %sub3A : i32
      %select_n3A = arith.select %and3A, %sub3A_28, %div3A : i32
      %jit3A_29 = arith.constant 4 : i32
      %eq3A = arith.constant 0 : i32
      %eq3A_30 = arith.cmpi eq, %jit3A_29, %eq3A : i32
      %jit3A_31 = arith.constant 1 : i32
      %select_n3A_32 = arith.select %eq3A_30, %jit3A_31, %jit3A_29 : i32
      %rem3A_33 = arith.remsi %add3A_12, %select_n3A_32 : i32
      %ne3A_34 = arith.constant 0 : i32
      %ne3A_35 = arith.cmpi ne, %rem3A_33, %ne3A_34 : i32
      %lt3A = arith.constant 0 : i32
      %lt3A_36 = arith.cmpi slt, %rem3A_33, %lt3A : i32
      %lt3A_37 = arith.constant 0 : i32
      %lt3A_38 = arith.cmpi slt, %select_n3A_32, %lt3A_37 : i32
      %ne3A_39 = arith.xori %lt3A_36, %lt3A_38 : i1
      %and3A_40 = arith.andi %ne3A_39, %ne3A_35 : i1
      %add3A_41 = arith.addi %rem3A_33, %select_n3A_32 : i32
      %select_n3A_42 = arith.select %and3A_40, %add3A_41, %rem3A_33 : i32
      %scan3A_43 = arith.constant 0 : i32
      %scan3A_44 = arith.constant 0 : i32
      %scan3A_45 = arith.constant 257 : i32
      %scan3A_46 = arith.addi %scan3A_44, %scan3A_45 : i32
      %scan3A_47 = arith.constant 1 : i32
      %scan3A_48 = scf.for %scan3A_83 = %scan3A_44 to %scan3A_46 step %scan3A_47 iter_args(%scan3A_84 = %scan3A_43) -> (i32)  : i32 {
        %mul3A_85 = arith.constant 256 : i32
        %mul3A_86 = arith.muli %scan3A_83, %mul3A_85 : i32
        %add3A_87 = arith.constant 0 : i32
        %add3A_88 = arith.addi %mul3A_86, %add3A_87 : i32
        %swap3A = arith.index_cast %add3A_88 : i32 to index
        %swap3A_89 = tpu.vector_load %arg13[%swap3A] {strides = array<i32>} : memref<65792xf32, #tpu.memory_space<vmem>>, vector<16xf32>,
        %swap3A_90 = vector.shape_cast %swap3A_89 : vector<16xf32> to vector<16xf32>
        %swap3A_91 = vector.shape_cast %broadcast_in_dim3A_1 : vector<16xf32> to vector<16xf32>
        tpu.vector_store %arg13[%swap3A], %swap3A_91 {strides = array<i32>} : memref<65792xf32, #tpu.memory_space<vmem>>, vector<16xf32>,
        %mul3A_92 = arith.constant 256 : i32
        %mul3A_93 = arith.muli %scan3A_83, %mul3A_92 : i32
        %add3A_94 = arith.constant 16 : i32
        %add3A_95 = arith.addi %mul3A_93, %add3A_94 : i32
        %swap3A_96 = arith.index_cast %add3A_95 : i32 to index
        %swap3A_97 = tpu.vector_load %arg13[%swap3A_96] {strides = array<i32>} : memref<65792xf32, #tpu.memory_space<vmem>>, vector<16xf32>,
        %swap3A_98 = vector.shape_cast %swap3A_97 : vector<16xf32> to vector<16xf32>
        %swap3A_99 = vector.shape_cast %broadcast_in_dim3A_1 : vector<16xf32> to vector<16xf32>
        tpu.vector_store %arg13[%swap3A_96], %swap3A_99 {strides = array<i32>} : memref<65792xf32, #tpu.memory_space<vmem>>, vector<16xf32>,
        %mul3A_100 = arith.constant 256 : i32
        %mul3A_101 = arith.muli %scan3A_83, %mul3A_100 : i32
        %add3A_102 = arith.constant 32 : i32
        %add3A_103 = arith.addi %mul3A_101, %add3A_102 : i32
        %swap3A_104 = arith.index_cast %add3A_103 : i32 to index
        %swap3A_105 = tpu.vector_load %arg13[%swap3A_104] {strides = array<i32>} : memref<65792xf32, #tpu.memory_space<vmem>>, vector<16xf32>,
        %swap3A_106 = vector.shape_cast %swap3A_105 : vector<16xf32> to vector<16xf32>
        %swap3A_107 = vector.shape_cast %broadcast_in_dim3A_1 : vector<16xf32> to vector<16xf32>
        tpu.vector_store %arg13[%swap3A_104], %swap3A_107 {strides = array<i32>} : memref<65792xf32, #tpu.memory_space<vmem>>, vector<16xf32>,
        %mul3A_108 = arith.constant 256 : i32
        %mul3A_109 = arith.muli %scan3A_83, %mul3A_108 : i32
        %add3A_110 = arith.constant 48 : i32
        %add3A_111 = arith.addi %mul3A_109, %add3A_110 : i32
        %swap3A_112 = arith.index_cast %add3A_111 : i32 to index
        %swap3A_113 = tpu.vector_load %arg13[%swap3A_112] {strides = array<i32>} : memref<65792xf32, #tpu.memory_space<vmem>>, vector<16xf32>,
        %swap3A_114 = vector.shape_cast %swap3A_113 : vector<16xf32> to vector<16xf32>
        %swap3A_115 = vector.shape_cast %broadcast_in_dim3A_1 : vector<16xf32> to vector<16xf32>
        tpu.vector_store %arg13[%swap3A_112], %swap3A_115 {strides = array<i32>} : memref<65792xf32, #tpu.memory_space<vmem>>, vector<16xf32>,
        %mul3A_116 = arith.constant 256 : i32
        %mul3A_117 = arith.muli %scan3A_83, %mul3A_116 : i32
        %add3A_118 = arith.constant 64 : i32
        %add3A_119 = arith.addi %mul3A_117, %add3A_118 : i32
        %swap3A_120 = arith.index_cast %add3A_119 : i32 to index
        %swap3A_121 = tpu.vector_load %arg13[%swap3A_120] {strides = array<i32>} : memref<65792xf32, #tpu.memory_space<vmem>>, vector<16xf32>,
        %swap3A_122 = vector.shape_cast %swap3A_121 : vector<16xf32> to vector<16xf32>
        %swap3A_123 = vector.shape_cast %broadcast_in_dim3A_1 : vector<16xf32> to vector<16xf32>
        tpu.vector_store %arg13[%swap3A_120], %swap3A_123 {strides = array<i32>} : memref<65792xf32, #tpu.memory_space<vmem>>, vector<16xf32>,
        %mul3A_124 = arith.constant 256 : i32
        %mul3A_125 = arith.muli %scan3A_83, %mul3A_124 : i32
        %add3A_126 = arith.constant 80 : i32
        %add3A_127 = arith.addi %mul3A_125, %add3A_126 : i32
        %swap3A_128 = arith.index_cast %add3A_127 : i32 to index
        %swap3A_129 = tpu.vector_load %arg13[%swap3A_128] {strides = array<i32>} : memref<65792xf32, #tpu.memory_space<vmem>>, vector<16xf32>,
        %swap3A_130 = vector.shape_cast %swap3A_129 : vector<16xf32> to vector<16xf32>
        %swap3A_131 = vector.shape_cast %broadcast_in_dim3A_1 : vector<16xf32> to vector<16xf32>
        tpu.vector_store %arg13[%swap3A_128], %swap3A_131 {strides = array<i32>} : memref<65792xf32, #tpu.memory_space<vmem>>, vector<16xf32>,
        %mul3A_132 = arith.constant 256 : i32
        %mul3A_133 = arith.muli %scan3A_83, %mul3A_132 : i32
        %add3A_134 = arith.constant 96 : i32
        %add3A_135 = arith.addi %mul3A_133, %add3A_134 : i32
        %swap3A_136 = arith.index_cast %add3A_135 : i32 to index
        %swap3A_137 = tpu.vector_load %arg13[%swap3A_136] {strides = array<i32>} : memref<65792xf32, #tpu.memory_space<vmem>>, vector<16xf32>,
        %swap3A_138 = vector.shape_cast %swap3A_137 : vector<16xf32> to vector<16xf32>
        %swap3A_139 = vector.shape_cast %broadcast_in_dim3A_1 : vector<16xf32> to vector<16xf32>
        tpu.vector_store %arg13[%swap3A_136], %swap3A_139 {strides = array<i32>} : memref<65792xf32, #tpu.memory_space<vmem>>, vector<16xf32>,
        %mul3A_140 = arith.constant 256 : i32
        %mul3A_141 = arith.muli %scan3A_83, %mul3A_140 : i32
        %add3A_142 = arith.constant 112 : i32
        %add3A_143 = arith.addi %mul3A_141, %add3A_142 : i32
        %swap3A_144 = arith.index_cast %add3A_143 : i32 to index
        %swap3A_145 = tpu.vector_load %arg13[%swap3A_144] {strides = array<i32>} : memref<65792xf32, #tpu.memory_space<vmem>>, vector<16xf32>,
        %swap3A_146 = vector.shape_cast %swap3A_145 : vector<16xf32> to vector<16xf32>
        %swap3A_147 = vector.shape_cast %broadcast_in_dim3A_1 : vector<16xf32> to vector<16xf32>
        tpu.vector_store %arg13[%swap3A_144], %swap3A_147 {strides = array<i32>} : memref<65792xf32, #tpu.memory_space<vmem>>, vector<16xf32>,
        %mul3A_148 = arith.constant 256 : i32
        %mul3A_149 = arith.muli %scan3A_83, %mul3A_148 : i32
        %add3A_150 = arith.constant 128 : i32
        %add3A_151 = arith.addi %mul3A_149, %add3A_150 : i32
        %swap3A_152 = arith.index_cast %add3A_151 : i32 to index
        %swap3A_153 = tpu.vector_load %arg13[%swap3A_152] {strides = array<i32>} : memref<65792xf32, #tpu.memory_space<vmem>>, vector<16xf32>,
        %swap3A_154 = vector.shape_cast %swap3A_153 : vector<16xf32> to vector<16xf32>
        %swap3A_155 = vector.shape_cast %broadcast_in_dim3A_1 : vector<16xf32> to vector<16xf32>
        tpu.vector_store %arg13[%swap3A_152], %swap3A_155 {strides = array<i32>} : memref<65792xf32, #tpu.memory_space<vmem>>, vector<16xf32>,
        %mul3A_156 = arith.constant 256 : i32
        %mul3A_157 = arith.muli %scan3A_83, %mul3A_156 : i32
        %add3A_158 = arith.constant 144 : i32
        %add3A_159 = arith.addi %mul3A_157, %add3A_158 : i32
        %swap3A_160 = arith.index_cast %add3A_159 : i32 to index
        %swap3A_161 = tpu.vector_load %arg13[%swap3A_160] {strides = array<i32>} : memref<65792xf32, #tpu.memory_space<vmem>>, vector<16xf32>,
        %swap3A_162 = vector.shape_cast %swap3A_161 : vector<16xf32> to vector<16xf32>
        %swap3A_163 = vector.shape_cast %broadcast_in_dim3A_1 : vector<16xf32> to vector<16xf32>
        tpu.vector_store %arg13[%swap3A_160], %swap3A_163 {strides = array<i32>} : memref<65792xf32, #tpu.memory_space<vmem>>, vector<16xf32>,
        %mul3A_164 = arith.constant 256 : i32
        %mul3A_165 = arith.muli %scan3A_83, %mul3A_164 : i32
        %add3A_166 = arith.constant 160 : i32
        %add3A_167 = arith.addi %mul3A_165, %add3A_166 : i32
        %swap3A_168 = arith.index_cast %add3A_167 : i32 to index
        %swap3A_169 = tpu.vector_load %arg13[%swap3A_168] {strides = array<i32>} : memref<65792xf32, #tpu.memory_space<vmem>>, vector<16xf32>,
        %swap3A_170 = vector.shape_cast %swap3A_169 : vector<16xf32> to vector<16xf32>
        %swap3A_171 = vector.shape_cast %broadcast_in_dim3A_1 : vector<16xf32> to vector<16xf32>
        tpu.vector_store %arg13[%swap3A_168], %swap3A_171 {strides = array<i32>} : memref<65792xf32, #tpu.memory_space<vmem>>, vector<16xf32>,
        %mul3A_172 = arith.constant 256 : i32
        %mul3A_173 = arith.muli %scan3A_83, %mul3A_172 : i32
        %add3A_174 = arith.constant 176 : i32
        %add3A_175 = arith.addi %mul3A_173, %add3A_174 : i32
        %swap3A_176 = arith.index_cast %add3A_175 : i32 to index
        %swap3A_177 = tpu.vector_load %arg13[%swap3A_176] {strides = array<i32>} : memref<65792xf32, #tpu.memory_space<vmem>>, vector<16xf32>,
        %swap3A_178 = vector.shape_cast %swap3A_177 : vector<16xf32> to vector<16xf32>
        %swap3A_179 = vector.shape_cast %broadcast_in_dim3A_1 : vector<16xf32> to vector<16xf32>
        tpu.vector_store %arg13[%swap3A_176], %swap3A_179 {strides = array<i32>} : memref<65792xf32, #tpu.memory_space<vmem>>, vector<16xf32>,
        %mul3A_180 = arith.constant 256 : i32
        %mul3A_181 = arith.muli %scan3A_83, %mul3A_180 : i32
        %add3A_182 = arith.constant 192 : i32
        %add3A_183 = arith.addi %mul3A_181, %add3A_182 : i32
        %swap3A_184 = arith.index_cast %add3A_183 : i32 to index
        %swap3A_185 = tpu.vector_load %arg13[%swap3A_184] {strides = array<i32>} : memref<65792xf32, #tpu.memory_space<vmem>>, vector<16xf32>,
        %swap3A_186 = vector.shape_cast %swap3A_185 : vector<16xf32> to vector<16xf32>
        %swap3A_187 = vector.shape_cast %broadcast_in_dim3A_1 : vector<16xf32> to vector<16xf32>
        tpu.vector_store %arg13[%swap3A_184], %swap3A_187 {strides = array<i32>} : memref<65792xf32, #tpu.memory_space<vmem>>, vector<16xf32>,
        %mul3A_188 = arith.constant 256 : i32
        %mul3A_189 = arith.muli %scan3A_83, %mul3A_188 : i32
        %add3A_190 = arith.constant 208 : i32
        %add3A_191 = arith.addi %mul3A_189, %add3A_190 : i32
        %swap3A_192 = arith.index_cast %add3A_191 : i32 to index
        %swap3A_193 = tpu.vector_load %arg13[%swap3A_192] {strides = array<i32>} : memref<65792xf32, #tpu.memory_space<vmem>>, vector<16xf32>,
        %swap3A_194 = vector.shape_cast %swap3A_193 : vector<16xf32> to vector<16xf32>
        %swap3A_195 = vector.shape_cast %broadcast_in_dim3A_1 : vector<16xf32> to vector<16xf32>
        tpu.vector_store %arg13[%swap3A_192], %swap3A_195 {strides = array<i32>} : memref<65792xf32, #tpu.memory_space<vmem>>, vector<16xf32>,
        %mul3A_196 = arith.constant 256 : i32
        %mul3A_197 = arith.muli %scan3A_83, %mul3A_196 : i32
        %add3A_198 = arith.constant 224 : i32
        %add3A_199 = arith.addi %mul3A_197, %add3A_198 : i32
        %swap3A_200 = arith.index_cast %add3A_199 : i32 to index
        %swap3A_201 = tpu.vector_load %arg13[%swap3A_200] {strides = array<i32>} : memref<65792xf32, #tpu.memory_space<vmem>>, vector<16xf32>,
        %swap3A_202 = vector.shape_cast %swap3A_201 : vector<16xf32> to vector<16xf32>
        %swap3A_203 = vector.shape_cast %broadcast_in_dim3A_1 : vector<16xf32> to vector<16xf32>
        tpu.vector_store %arg13[%swap3A_200], %swap3A_203 {strides = array<i32>} : memref<65792xf32, #tpu.memory_space<vmem>>, vector<16xf32>,
        %mul3A_204 = arith.constant 256 : i32
        %mul3A_205 = arith.muli %scan3A_83, %mul3A_204 : i32
        %add3A_206 = arith.constant 240 : i32
        %add3A_207 = arith.addi %mul3A_205, %add3A_206 : i32
        %swap3A_208 = arith.index_cast %add3A_207 : i32 to index
        %swap3A_209 = tpu.vector_load %arg13[%swap3A_208] {strides = array<i32>} : memref<65792xf32, #tpu.memory_space<vmem>>, vector<16xf32>,
        %swap3A_210 = vector.shape_cast %swap3A_209 : vector<16xf32> to vector<16xf32>
        %swap3A_211 = vector.shape_cast %broadcast_in_dim3A_1 : vector<16xf32> to vector<16xf32>
        tpu.vector_store %arg13[%swap3A_208], %swap3A_211 {strides = array<i32>} : memref<65792xf32, #tpu.memory_space<vmem>>, vector<16xf32>,
        %scan3A_212 = arith.constant 0 : i32
        scf.yield %scan3A_212 : i32
      }
      %scan3A_49 = arith.constant 257 : i32
      %mul3A_50 = arith.constant 64 : i32
      %mul3A_51 = arith.muli %select_n3A, %mul3A_50 : i32
      %mul3A_52 = arith.constant 64 : i32
      %mul3A_53 = arith.muli %mul3A_51, %mul3A_52 : i32
      "tpu.region"() ({
        %run_scoped3A = tpu.sem_alloc : memref<!tpu.dma_semaphore, #tpu.memory_space<semaphore_mem>>
        %dma_start3A = tpu.memref_slice %arg2[%mul3A_53] : memref<262144xf32, #tpu.memory_space<hbm>> -> memref<4096xf32, #tpu.memory_space<hbm>>
        %dma_start3A_83 = tpu.memref_slice %arg2[%mul3A_53] : memref<262144xf32, #tpu.memory_space<hbm>> -> memref<4096xf32, #tpu.memory_space<hbm>>
        tpu.enqueue_dma source(%dma_start3A_83 : memref<4096xf32, #tpu.memory_space<hbm>>) target(%arg8 : memref<4096xf32, #tpu.memory_space<vmem>>) target_semaphore(%run_scoped3A : memref<!tpu.dma_semaphore, #tpu.memory_space<semaphore_mem>>)
        %dma_wait3A = tpu.memref_slice %arg2[%mul3A_53] : memref<262144xf32, #tpu.memory_space<hbm>> -> memref<4096xf32, #tpu.memory_space<hbm>>
        %dma_wait3A_84 = tpu.memref_slice %arg2[%mul3A_53] : memref<262144xf32, #tpu.memory_space<hbm>> -> memref<4096xf32, #tpu.memory_space<hbm>>
        tpu.wait_dma2 semaphore(%run_scoped3A : memref<!tpu.dma_semaphore, #tpu.memory_space<semaphore_mem>>) src(%dma_wait3A_84 : memref<4096xf32, #tpu.memory_space<hbm>>) dst(%arg8 : memref<4096xf32, #tpu.memory_space<vmem>>)
        tpu.yield
      }) : () -> ()
      %mul3A_54 = arith.constant 64 : i32
      %mul3A_55 = arith.muli %select_n3A, %mul3A_54 : i32
      "tpu.region"() ({
        %run_scoped3A = tpu.sem_alloc : memref<!tpu.dma_semaphore, #tpu.memory_space<semaphore_mem>>
        %dma_start3A = tpu.memref_slice %arg3[%mul3A_55] : memref<4096xf32, #tpu.memory_space<hbm>> -> memref<64xf32, #tpu.memory_space<hbm>>
        %dma_start3A_83 = tpu.memref_slice %arg3[%mul3A_55] : memref<4096xf32, #tpu.memory_space<hbm>> -> memref<64xf32, #tpu.memory_space<hbm>>
        tpu.enqueue_dma source(%dma_start3A_83 : memref<64xf32, #tpu.memory_space<hbm>>) target(%arg9 : memref<64xf32, #tpu.memory_space<vmem>>) target_semaphore(%run_scoped3A : memref<!tpu.dma_semaphore, #tpu.memory_space<semaphore_mem>>)
        %dma_wait3A = tpu.memref_slice %arg3[%mul3A_55] : memref<4096xf32, #tpu.memory_space<hbm>> -> memref<64xf32, #tpu.memory_space<hbm>>
        %dma_wait3A_84 = tpu.memref_slice %arg3[%mul3A_55] : memref<4096xf32, #tpu.memory_space<hbm>> -> memref<64xf32, #tpu.memory_space<hbm>>
        tpu.wait_dma2 semaphore(%run_scoped3A : memref<!tpu.dma_semaphore, #tpu.memory_space<semaphore_mem>>) src(%dma_wait3A_84 : memref<64xf32, #tpu.memory_space<hbm>>) dst(%arg9 : memref<64xf32, #tpu.memory_space<vmem>>)
        tpu.yield
      }) : () -> ()
      %mul3A_56 = arith.constant 64 : i32
      %mul3A_57 = arith.muli %select_n3A, %mul3A_56 : i32
      "tpu.region"() ({
        %run_scoped3A = tpu.sem_alloc : memref<!tpu.dma_semaphore, #tpu.memory_space<semaphore_mem>>
        %dma_start3A = tpu.memref_slice %arg4[%mul3A_57] : memref<4096xf32, #tpu.memory_space<hbm>> -> memref<64xf32, #tpu.memory_space<hbm>>
        %dma_start3A_83 = tpu.memref_slice %arg4[%mul3A_57] : memref<4096xf32, #tpu.memory_space<hbm>> -> memref<64xf32, #tpu.memory_space<hbm>>
        tpu.enqueue_dma source(%dma_start3A_83 : memref<64xf32, #tpu.memory_space<hbm>>) target(%arg10 : memref<64xf32, #tpu.memory_space<vmem>>) target_semaphore(%run_scoped3A : memref<!tpu.dma_semaphore, #tpu.memory_space<semaphore_mem>>)
        %dma_wait3A = tpu.memref_slice %arg4[%mul3A_57] : memref<4096xf32, #tpu.memory_space<hbm>> -> memref<64xf32, #tpu.memory_space<hbm>>
        %dma_wait3A_84 = tpu.memref_slice %arg4[%mul3A_57] : memref<4096xf32, #tpu.memory_space<hbm>> -> memref<64xf32, #tpu.memory_space<hbm>>
        tpu.wait_dma2 semaphore(%run_scoped3A : memref<!tpu.dma_semaphore, #tpu.memory_space<semaphore_mem>>) src(%dma_wait3A_84 : memref<64xf32, #tpu.memory_space<hbm>>) dst(%arg10 : memref<64xf32, #tpu.memory_space<vmem>>)
        tpu.yield
      }) : () -> ()
      %mul3A_58 = arith.constant 64 : i32
      %mul3A_59 = arith.muli %select_n3A, %mul3A_58 : i32
      %mul3A_60 = arith.constant 16 : i32
      %mul3A_61 = arith.muli %mul3A_59, %mul3A_60 : i32
      "tpu.region"() ({
        %run_scoped3A = tpu.sem_alloc : memref<!tpu.dma_semaphore, #tpu.memory_space<semaphore_mem>>
        %dma_start3A = tpu.memref_slice %arg5[%mul3A_61] : memref<65536xf32, #tpu.memory_space<hbm>> -> memref<1024xf32, #tpu.memory_space<hbm>>
        %dma_start3A_83 = tpu.memref_slice %arg5[%mul3A_61] : memref<65536xf32, #tpu.memory_space<hbm>> -> memref<1024xf32, #tpu.memory_space<hbm>>
        tpu.enqueue_dma source(%dma_start3A_83 : memref<1024xf32, #tpu.memory_space<hbm>>) target(%arg11 : memref<1024xf32, #tpu.memory_space<vmem>>) target_semaphore(%run_scoped3A : memref<!tpu.dma_semaphore, #tpu.memory_space<semaphore_mem>>)
        %dma_wait3A = tpu.memref_slice %arg5[%mul3A_61] : memref<65536xf32, #tpu.memory_space<hbm>> -> memref<1024xf32, #tpu.memory_space<hbm>>
        %dma_wait3A_84 = tpu.memref_slice %arg5[%mul3A_61] : memref<65536xf32, #tpu.memory_space<hbm>> -> memref<1024xf32, #tpu.memory_space<hbm>>
        tpu.wait_dma2 semaphore(%run_scoped3A : memref<!tpu.dma_semaphore, #tpu.memory_space<semaphore_mem>>) src(%dma_wait3A_84 : memref<1024xf32, #tpu.memory_space<hbm>>) dst(%arg11 : memref<1024xf32, #tpu.memory_space<vmem>>)
        tpu.yield
      }) : () -> ()
      %mul3A_62 = arith.constant 64 : i32
      %mul3A_63 = arith.muli %select_n3A, %mul3A_62 : i32
      %mul3A_64 = arith.constant 16 : i32
      %mul3A_65 = arith.muli %mul3A_63, %mul3A_64 : i32
      "tpu.region"() ({
        %run_scoped3A = tpu.sem_alloc : memref<!tpu.dma_semaphore, #tpu.memory_space<semaphore_mem>>
        %dma_start3A = tpu.memref_slice %arg6[%mul3A_65] : memref<65536xf32, #tpu.memory_space<hbm>> -> memref<1024xf32, #tpu.memory_space<hbm>>
        %dma_start3A_83 = tpu.memref_slice %arg6[%mul3A_65] : memref<65536xf32, #tpu.memory_space<hbm>> -> memref<1024xf32, #tpu.memory_space<hbm>>
        tpu.enqueue_dma source(%dma_start3A_83 : memref<1024xf32, #tpu.memory_space<hbm>>) target(%arg12 : memref<1024xf32, #tpu.memory_space<vmem>>) target_semaphore(%run_scoped3A : memref<!tpu.dma_semaphore, #tpu.memory_space<semaphore_mem>>)
        %dma_wait3A = tpu.memref_slice %arg6[%mul3A_65] : memref<65536xf32, #tpu.memory_space<hbm>> -> memref<1024xf32, #tpu.memory_space<hbm>>
        %dma_wait3A_84 = tpu.memref_slice %arg6[%mul3A_65] : memref<65536xf32, #tpu.memory_space<hbm>> -> memref<1024xf32, #tpu.memory_space<hbm>>
        tpu.wait_dma2 semaphore(%run_scoped3A : memref<!tpu.dma_semaphore, #tpu.memory_space<semaphore_mem>>) src(%dma_wait3A_84 : memref<1024xf32, #tpu.memory_space<hbm>>) dst(%arg12 : memref<1024xf32, #tpu.memory_space<vmem>>)
        tpu.yield
      }) : () -> ()
      %scan3A_66 = arith.constant 0 : i32
      %scan3A_67 = arith.constant 0 : i32
      %scan3A_68 = arith.constant 16 : i32
      %scan3A_69 = arith.addi %scan3A_67, %scan3A_68 : i32
      %scan3A_70 = arith.constant 1 : i32
      %scan3A_71 = scf.for %scan3A_83 = %scan3A_67 to %scan3A_69 step %scan3A_70 iter_args(%scan3A_84 = %scan3A_66) -> (i32)  : i32 {
        %mul3A_85 = arith.constant 16 : i32
        %mul3A_86 = arith.muli %select_n3A_42, %mul3A_85 : i32
        %add3A_87 = arith.addi %mul3A_86, %scan3A_83 : i32
        %mul3A_88 = arith.constant 16 : i32
        %mul3A_89 = arith.muli %add3A_87, %mul3A_88 : i32
        %get3A = arith.index_cast %mul3A_89 : i32 to index
        %get3A_90 = tpu.vector_load %arg11[%get3A] {strides = array<i32>} : memref<1024xf32, #tpu.memory_space<vmem>>, vector<16xf32>,
        %get3A_91 = vector.shape_cast %get3A_90 : vector<16xf32> to vector<16xf32>
        %mul3A_92 = arith.constant 16 : i32
        %mul3A_93 = arith.muli %add3A_87, %mul3A_92 : i32
        %get3A_94 = arith.index_cast %mul3A_93 : i32 to index
        %get3A_95 = tpu.vector_load %arg12[%get3A_94] {strides = array<i32>} : memref<1024xf32, #tpu.memory_space<vmem>>, vector<16xf32>,
        %get3A_96 = vector.shape_cast %get3A_95 : vector<16xf32> to vector<16xf32>
        %sub3A_97 = arith.constant 1.000000e+00 : f32
        %sub3A_98 = vector.broadcast %sub3A_97 : f32 to vector<16xf32>
        %sub3A_99 = arith.subf %get3A_91, %sub3A_98 : vector<16xf32>
        %add3A_100 = arith.constant 1.000000e+00 : f32
        %add3A_101 = vector.broadcast %add3A_100 : f32 to vector<16xf32>
        %add3A_102 = arith.addf %get3A_96, %add3A_101 : vector<16xf32>
        %add3A_103 = arith.constant 1.000000e+00 : f32
        %add3A_104 = vector.broadcast %add3A_103 : f32 to vector<16xf32>
        %add3A_105 = arith.addf %get3A_91, %add3A_104 : vector<16xf32>
        %sub3A_106 = arith.constant 1.000000e+00 : f32
        %sub3A_107 = vector.broadcast %sub3A_106 : f32 to vector<16xf32>
        %sub3A_108 = arith.subf %get3A_96, %sub3A_107 : vector<16xf32>
        %broadcast_in_dim3A_109 = arith.constant 0.000000e+00 : f32
        %broadcast_in_dim3A_110 = vector.broadcast %broadcast_in_dim3A_109 : f32 to vector<16xf32>
        %get3A_111 = arith.constant 0 : index
        %get3A_112 = tpu.vector_load %arg9[%get3A_111] {strides = array<i32>} : memref<64xf32, #tpu.memory_space<vmem>>, vector<16xf32>,
        %get3A_113 = vector.shape_cast %get3A_112 : vector<16xf32> to vector<16xf32>
        %get3A_114 = arith.constant 0 : index
        %get3A_115 = tpu.vector_load %arg10[%get3A_114] {strides = array<i32>} : memref<64xf32, #tpu.memory_space<vmem>>, vector<16xf32>,
        %get3A_116 = vector.shape_cast %get3A_115 : vector<16xf32> to vector<16xf32>
        %sub3A_117 = arith.subf %get3A_113, %sub3A_99 : vector<16xf32>
        %mul3A_118 = arith.constant 4.000000e+00 : f32
        %mul3A_119 = vector.broadcast %mul3A_118 : f32 to vector<16xf32>
        %mul3A_120 = arith.mulf %sub3A_117, %mul3A_119 : vector<16xf32>
        %convert_element_type3A = arith.fptosi %mul3A_120 : vector<16xf32> to vector<16xi32>
        %sub3A_121 = arith.subf %add3A_102, %get3A_116 : vector<16xf32>
        %mul3A_122 = arith.constant 4.000000e+00 : f32
        %mul3A_123 = vector.broadcast %mul3A_122 : f32 to vector<16xf32>
        %mul3A_124 = arith.mulf %sub3A_121, %mul3A_123 : vector<16xf32>
        %convert_element_type3A_125 = arith.fptosi %mul3A_124 : vector<16xf32> to vector<16xi32>
        %sub3A_126 = arith.subf %add3A_105, %get3A_113 : vector<16xf32>
        %max3A = arith.maximumf %sub3A_126, %broadcast_in_dim3A_110 : vector<16xf32>
        %sign3A_127 = tpu.bitcast %max3A : vector<16xf32> -> vector<16xi32>
        %sign3A_128 = arith.constant -2147483648 : i32
        %sign3A_129 = vector.broadcast %sign3A_128 : i32 to vector<16xi32>
        %sign3A_130 = arith.andi %sign3A_127, %sign3A_129 : vector<16xi32>
        %sign3A_131 = arith.constant 1065353216 : i32
        %sign3A_132 = vector.broadcast %sign3A_131 : i32 to vector<16xi32>
        %sign3A_133 = arith.ori %sign3A_132, %sign3A_130 : vector<16xi32>
        %sign3A_134 = tpu.bitcast %sign3A_133 : vector<16xi32> -> vector<16xf32>
        %sign3A_135 = math.absf %max3A : vector<16xf32>
        %sign3A_136 = arith.constant 0.000000e+00 : f32
        %sign3A_137 = vector.broadcast %sign3A_136 : f32 to vector<16xf32>
        %sign3A_138 = arith.cmpf ogt, %sign3A_135, %sign3A_137 : vector<16xf32>
        %sign3A_139 = arith.select %sign3A_138, %sign3A_134, %max3A : vector<16xi1>, vector<16xf32>
        %sub3A_140 = arith.subf %get3A_113, %sub3A_99 : vector<16xf32>
        %max3A_141 = arith.maximumf %sub3A_140, %broadcast_in_dim3A_110 : vector<16xf32>
        %sign3A_142 = tpu.bitcast %max3A_141 : vector<16xf32> -> vector<16xi32>
        %sign3A_143 = arith.constant -2147483648 : i32
        %sign3A_144 = vector.broadcast %sign3A_143 : i32 to vector<16xi32>
        %sign3A_145 = arith.andi %sign3A_142, %sign3A_144 : vector<16xi32>
        %sign3A_146 = arith.constant 1065353216 : i32
        %sign3A_147 = vector.broadcast %sign3A_146 : i32 to vector<16xi32>
        %sign3A_148 = arith.ori %sign3A_147, %sign3A_145 : vector<16xi32>
        %sign3A_149 = tpu.bitcast %sign3A_148 : vector<16xi32> -> vector<16xf32>
        %sign3A_150 = math.absf %max3A_141 : vector<16xf32>
        %sign3A_151 = arith.constant 0.000000e+00 : f32
        %sign3A_152 = vector.broadcast %sign3A_151 : f32 to vector<16xf32>
        %sign3A_153 = arith.cmpf ogt, %sign3A_150, %sign3A_152 : vector<16xf32>
        %sign3A_154 = arith.select %sign3A_153, %sign3A_149, %max3A_141 : vector<16xi1>, vector<16xf32>
        %mul3A_155 = arith.mulf %sign3A_139, %sign3A_154 : vector<16xf32>
        %sub3A_156 = arith.subf %add3A_102, %get3A_116 : vector<16xf32>
        %max3A_157 = arith.maximumf %sub3A_156, %broadcast_in_dim3A_110 : vector<16xf32>
        %sign3A_158 = tpu.bitcast %max3A_157 : vector<16xf32> -> vector<16xi32>
        %sign3A_159 = arith.constant -2147483648 : i32
        %sign3A_160 = vector.broadcast %sign3A_159 : i32 to vector<16xi32>
        %sign3A_161 = arith.andi %sign3A_158, %sign3A_160 : vector<16xi32>
        %sign3A_162 = arith.constant 1065353216 : i32
        %sign3A_163 = vector.broadcast %sign3A_162 : i32 to vector<16xi32>
        %sign3A_164 = arith.ori %sign3A_163, %sign3A_161 : vector<16xi32>
        %sign3A_165 = tpu.bitcast %sign3A_164 : vector<16xi32> -> vector<16xf32>
        %sign3A_166 = math.absf %max3A_157 : vector<16xf32>
        %sign3A_167 = arith.constant 0.000000e+00 : f32
        %sign3A_168 = vector.broadcast %sign3A_167 : f32 to vector<16xf32>
        %sign3A_169 = arith.cmpf ogt, %sign3A_166, %sign3A_168 : vector<16xf32>
        %sign3A_170 = arith.select %sign3A_169, %sign3A_165, %max3A_157 : vector<16xi1>, vector<16xf32>
        %mul3A_171 = arith.mulf %mul3A_155, %sign3A_170 : vector<16xf32>
        %sub3A_172 = arith.subf %get3A_116, %sub3A_108 : vector<16xf32>
        %max3A_173 = arith.maximumf %sub3A_172, %broadcast_in_dim3A_110 : vector<16xf32>
        %sign3A_174 = tpu.bitcast %max3A_173 : vector<16xf32> -> vector<16xi32>
        %sign3A_175 = arith.constant -2147483648 : i32
        %sign3A_176 = vector.broadcast %sign3A_175 : i32 to vector<16xi32>
        %sign3A_177 = arith.andi %sign3A_174, %sign3A_176 : vector<16xi32>
        %sign3A_178 = arith.constant 1065353216 : i32
        %sign3A_179 = vector.broadcast %sign3A_178 : i32 to vector<16xi32>
        %sign3A_180 = arith.ori %sign3A_179, %sign3A_177 : vector<16xi32>
        %sign3A_181 = tpu.bitcast %sign3A_180 : vector<16xi32> -> vector<16xf32>
        %sign3A_182 = math.absf %max3A_173 : vector<16xf32>
        %sign3A_183 = arith.constant 0.000000e+00 : f32
        %sign3A_184 = vector.broadcast %sign3A_183 : f32 to vector<16xf32>
        %sign3A_185 = arith.cmpf ogt, %sign3A_182, %sign3A_184 : vector<16xf32>
        %sign3A_186 = arith.select %sign3A_185, %sign3A_181, %max3A_173 : vector<16xi1>, vector<16xf32>
        %mul3A_187 = arith.mulf %mul3A_171, %sign3A_186 : vector<16xf32>
        %add3A_188 = arith.constant 0 : i32
        %add3A_189 = vector.broadcast %add3A_188 : i32 to vector<16xi32>
        %add3A_190 = arith.addi %add3A_189, %iota3A : vector<16xi32>
        %sub3A_191 = vector.broadcast %add3A_87 : i32 to vector<16xi32>
        %sub3A_192 = arith.subi %add3A_190, %sub3A_191 : vector<16xi32>
        %convert_element_type3A_193 = arith.sitofp %sub3A_192 : vector<16xi32> to vector<16xf32>
        %abs3A = math.absf %convert_element_type3A_193 : vector<16xf32>
        %sign3A_194 = tpu.bitcast %abs3A : vector<16xf32> -> vector<16xi32>
        %sign3A_195 = arith.constant -2147483648 : i32
        %sign3A_196 = vector.broadcast %sign3A_195 : i32 to vector<16xi32>
        %sign3A_197 = arith.andi %sign3A_194, %sign3A_196 : vector<16xi32>
        %sign3A_198 = arith.constant 1065353216 : i32
        %sign3A_199 = vector.broadcast %sign3A_198 : i32 to vector<16xi32>
        %sign3A_200 = arith.ori %sign3A_199, %sign3A_197 : vector<16xi32>
        %sign3A_201 = tpu.bitcast %sign3A_200 : vector<16xi32> -> vector<16xf32>
        %sign3A_202 = math.absf %abs3A : vector<16xf32>
        %sign3A_203 = arith.constant 0.000000e+00 : f32
        %sign3A_204 = vector.broadcast %sign3A_203 : f32 to vector<16xf32>
        %sign3A_205 = arith.cmpf ogt, %sign3A_202, %sign3A_204 : vector<16xf32>
        %sign3A_206 = arith.select %sign3A_205, %sign3A_201, %abs3A : vector<16xi1>, vector<16xf32>
        %mul3A_207 = arith.mulf %mul3A_187, %sign3A_206 : vector<16xf32>
        %convert_element_type3A_208 = arith.fptosi %mul3A_207 : vector<16xf32> to vector<16xi32>
        %mul3A_209 = arith.constant 8 : i32
        %mul3A_210 = vector.broadcast %mul3A_209 : i32 to vector<16xi32>
        %mul3A_211 = arith.muli %mul3A_210, %convert_element_type3A_125 : vector<16xi32>
        %add3A_212 = arith.addi %convert_element_type3A, %mul3A_211 : vector<16xi32>
        %mul3A_213 = arith.constant 64 : i32
        %mul3A_214 = arith.muli %scan3A_83, %mul3A_213 : i32
        %add3A_215 = vector.broadcast %mul3A_214 : i32 to vector<16xi32>
        %add3A_216 = arith.addi %add3A_215, %add3A_212 : vector<16xi32>
        %mul3A_217 = arith.muli %convert_element_type3A_208, %add3A_216 : vector<16xi32>
        %sub3A_218 = arith.constant 1 : i32
        %sub3A_219 = vector.broadcast %sub3A_218 : i32 to vector<16xi32>
        %sub3A_220 = arith.subi %sub3A_219, %convert_element_type3A_208 : vector<16xi32>
        %mul3A_221 = arith.constant 1024 : i32
        %mul3A_222 = vector.broadcast %mul3A_221 : i32 to vector<16xi32>
        %mul3A_223 = arith.muli %sub3A_220, %mul3A_222 : vector<16xi32>
        %add3A_224 = arith.addi %mul3A_217, %mul3A_223 : vector<16xi32>
        %mul3A_225 = arith.constant 4 : i32
        %mul3A_226 = arith.muli %scan3A_83, %mul3A_225 : i32
        %add3A_227 = arith.constant 0 : i32
        %add3A_228 = arith.addi %mul3A_226, %add3A_227 : i32
        %mul3A_229 = arith.constant 16 : i32
        %mul3A_230 = arith.muli %add3A_228, %mul3A_229 : i32
        %swap3A = arith.index_cast %mul3A_230 : i32 to index
        %swap3A_231 = tpu.vector_load %arg14[%swap3A] {strides = array<i32>} : memref<1040xi32, #tpu.memory_space<vmem>>, vector<16xi32>,
        %swap3A_232 = vector.shape_cast %swap3A_231 : vector<16xi32> to vector<16xi32>
        %swap3A_233 = vector.shape_cast %add3A_224 : vector<16xi32> to vector<16xi32>
        tpu.vector_store %arg14[%swap3A], %swap3A_233 {strides = array<i32>} : memref<1040xi32, #tpu.memory_space<vmem>>, vector<16xi32>,
        %get3A_234 = arith.constant 16 : index
        %get3A_235 = tpu.vector_load %arg9[%get3A_234] {strides = array<i32>} : memref<64xf32, #tpu.memory_space<vmem>>, vector<16xf32>,
        %get3A_236 = vector.shape_cast %get3A_235 : vector<16xf32> to vector<16xf32>
        %get3A_237 = arith.constant 16 : index
        %get3A_238 = tpu.vector_load %arg10[%get3A_237] {strides = array<i32>} : memref<64xf32, #tpu.memory_space<vmem>>, vector<16xf32>,
        %get3A_239 = vector.shape_cast %get3A_238 : vector<16xf32> to vector<16xf32>
        %sub3A_240 = arith.subf %get3A_236, %sub3A_99 : vector<16xf32>
        %mul3A_241 = arith.constant 4.000000e+00 : f32
        %mul3A_242 = vector.broadcast %mul3A_241 : f32 to vector<16xf32>
        %mul3A_243 = arith.mulf %sub3A_240, %mul3A_242 : vector<16xf32>
        %convert_element_type3A_244 = arith.fptosi %mul3A_243 : vector<16xf32> to vector<16xi32>
        %sub3A_245 = arith.subf %add3A_102, %get3A_239 : vector<16xf32>
        %mul3A_246 = arith.constant 4.000000e+00 : f32
        %mul3A_247 = vector.broadcast %mul3A_246 : f32 to vector<16xf32>
        %mul3A_248 = arith.mulf %sub3A_245, %mul3A_247 : vector<16xf32>
        %convert_element_type3A_249 = arith.fptosi %mul3A_248 : vector<16xf32> to vector<16xi32>
        %sub3A_250 = arith.subf %add3A_105, %get3A_236 : vector<16xf32>
        %max3A_251 = arith.maximumf %sub3A_250, %broadcast_in_dim3A_110 : vector<16xf32>
        %sign3A_252 = tpu.bitcast %max3A_251 : vector<16xf32> -> vector<16xi32>
        %sign3A_253 = arith.constant -2147483648 : i32
        %sign3A_254 = vector.broadcast %sign3A_253 : i32 to vector<16xi32>
        %sign3A_255 = arith.andi %sign3A_252, %sign3A_254 : vector<16xi32>
        %sign3A_256 = arith.constant 1065353216 : i32
        %sign3A_257 = vector.broadcast %sign3A_256 : i32 to vector<16xi32>
        %sign3A_258 = arith.ori %sign3A_257, %sign3A_255 : vector<16xi32>
        %sign3A_259 = tpu.bitcast %sign3A_258 : vector<16xi32> -> vector<16xf32>
        %sign3A_260 = math.absf %max3A_251 : vector<16xf32>
        %sign3A_261 = arith.constant 0.000000e+00 : f32
        %sign3A_262 = vector.broadcast %sign3A_261 : f32 to vector<16xf32>
        %sign3A_263 = arith.cmpf ogt, %sign3A_260, %sign3A_262 : vector<16xf32>
        %sign3A_264 = arith.select %sign3A_263, %sign3A_259, %max3A_251 : vector<16xi1>, vector<16xf32>
        %sub3A_265 = arith.subf %get3A_236, %sub3A_99 : vector<16xf32>
        %max3A_266 = arith.maximumf %sub3A_265, %broadcast_in_dim3A_110 : vector<16xf32>
        %sign3A_267 = tpu.bitcast %max3A_266 : vector<16xf32> -> vector<16xi32>
        %sign3A_268 = arith.constant -2147483648 : i32
        %sign3A_269 = vector.broadcast %sign3A_268 : i32 to vector<16xi32>
        %sign3A_270 = arith.andi %sign3A_267, %sign3A_269 : vector<16xi32>
        %sign3A_271 = arith.constant 1065353216 : i32
        %sign3A_272 = vector.broadcast %sign3A_271 : i32 to vector<16xi32>
        %sign3A_273 = arith.ori %sign3A_272, %sign3A_270 : vector<16xi32>
        %sign3A_274 = tpu.bitcast %sign3A_273 : vector<16xi32> -> vector<16xf32>
        %sign3A_275 = math.absf %max3A_266 : vector<16xf32>
        %sign3A_276 = arith.constant 0.000000e+00 : f32
        %sign3A_277 = vector.broadcast %sign3A_276 : f32 to vector<16xf32>
        %sign3A_278 = arith.cmpf ogt, %sign3A_275, %sign3A_277 : vector<16xf32>
        %sign3A_279 = arith.select %sign3A_278, %sign3A_274, %max3A_266 : vector<16xi1>, vector<16xf32>
        %mul3A_280 = arith.mulf %sign3A_264, %sign3A_279 : vector<16xf32>
        %sub3A_281 = arith.subf %add3A_102, %get3A_239 : vector<16xf32>
        %max3A_282 = arith.maximumf %sub3A_281, %broadcast_in_dim3A_110 : vector<16xf32>
        %sign3A_283 = tpu.bitcast %max3A_282 : vector<16xf32> -> vector<16xi32>
        %sign3A_284 = arith.constant -2147483648 : i32
        %sign3A_285 = vector.broadcast %sign3A_284 : i32 to vector<16xi32>
        %sign3A_286 = arith.andi %sign3A_283, %sign3A_285 : vector<16xi32>
        %sign3A_287 = arith.constant 1065353216 : i32
        %sign3A_288 = vector.broadcast %sign3A_287 : i32 to vector<16xi32>
        %sign3A_289 = arith.ori %sign3A_288, %sign3A_286 : vector<16xi32>
        %sign3A_290 = tpu.bitcast %sign3A_289 : vector<16xi32> -> vector<16xf32>
        %sign3A_291 = math.absf %max3A_282 : vector<16xf32>
        %sign3A_292 = arith.constant 0.000000e+00 : f32
        %sign3A_293 = vector.broadcast %sign3A_292 : f32 to vector<16xf32>
        %sign3A_294 = arith.cmpf ogt, %sign3A_291, %sign3A_293 : vector<16xf32>
        %sign3A_295 = arith.select %sign3A_294, %sign3A_290, %max3A_282 : vector<16xi1>, vector<16xf32>
        %mul3A_296 = arith.mulf %mul3A_280, %sign3A_295 : vector<16xf32>
        %sub3A_297 = arith.subf %get3A_239, %sub3A_108 : vector<16xf32>
        %max3A_298 = arith.maximumf %sub3A_297, %broadcast_in_dim3A_110 : vector<16xf32>
        %sign3A_299 = tpu.bitcast %max3A_298 : vector<16xf32> -> vector<16xi32>
        %sign3A_300 = arith.constant -2147483648 : i32
        %sign3A_301 = vector.broadcast %sign3A_300 : i32 to vector<16xi32>
        %sign3A_302 = arith.andi %sign3A_299, %sign3A_301 : vector<16xi32>
        %sign3A_303 = arith.constant 1065353216 : i32
        %sign3A_304 = vector.broadcast %sign3A_303 : i32 to vector<16xi32>
        %sign3A_305 = arith.ori %sign3A_304, %sign3A_302 : vector<16xi32>
        %sign3A_306 = tpu.bitcast %sign3A_305 : vector<16xi32> -> vector<16xf32>
        %sign3A_307 = math.absf %max3A_298 : vector<16xf32>
        %sign3A_308 = arith.constant 0.000000e+00 : f32
        %sign3A_309 = vector.broadcast %sign3A_308 : f32 to vector<16xf32>
        %sign3A_310 = arith.cmpf ogt, %sign3A_307, %sign3A_309 : vector<16xf32>
        %sign3A_311 = arith.select %sign3A_310, %sign3A_306, %max3A_298 : vector<16xi1>, vector<16xf32>
        %mul3A_312 = arith.mulf %mul3A_296, %sign3A_311 : vector<16xf32>
        %add3A_313 = arith.constant 16 : i32
        %add3A_314 = vector.broadcast %add3A_313 : i32 to vector<16xi32>
        %add3A_315 = arith.addi %add3A_314, %iota3A : vector<16xi32>
        %sub3A_316 = vector.broadcast %add3A_87 : i32 to vector<16xi32>
        %sub3A_317 = arith.subi %add3A_315, %sub3A_316 : vector<16xi32>
        %convert_element_type3A_318 = arith.sitofp %sub3A_317 : vector<16xi32> to vector<16xf32>
        %abs3A_319 = math.absf %convert_element_type3A_318 : vector<16xf32>
        %sign3A_320 = tpu.bitcast %abs3A_319 : vector<16xf32> -> vector<16xi32>
        %sign3A_321 = arith.constant -2147483648 : i32
        %sign3A_322 = vector.broadcast %sign3A_321 : i32 to vector<16xi32>
        %sign3A_323 = arith.andi %sign3A_320, %sign3A_322 : vector<16xi32>
        %sign3A_324 = arith.constant 1065353216 : i32
        %sign3A_325 = vector.broadcast %sign3A_324 : i32 to vector<16xi32>
        %sign3A_326 = arith.ori %sign3A_325, %sign3A_323 : vector<16xi32>
        %sign3A_327 = tpu.bitcast %sign3A_326 : vector<16xi32> -> vector<16xf32>
        %sign3A_328 = math.absf %abs3A_319 : vector<16xf32>
        %sign3A_329 = arith.constant 0.000000e+00 : f32
        %sign3A_330 = vector.broadcast %sign3A_329 : f32 to vector<16xf32>
        %sign3A_331 = arith.cmpf ogt, %sign3A_328, %sign3A_330 : vector<16xf32>
        %sign3A_332 = arith.select %sign3A_331, %sign3A_327, %abs3A_319 : vector<16xi1>, vector<16xf32>
        %mul3A_333 = arith.mulf %mul3A_312, %sign3A_332 : vector<16xf32>
        %convert_element_type3A_334 = arith.fptosi %mul3A_333 : vector<16xf32> to vector<16xi32>
        %mul3A_335 = arith.constant 8 : i32
        %mul3A_336 = vector.broadcast %mul3A_335 : i32 to vector<16xi32>
        %mul3A_337 = arith.muli %mul3A_336, %convert_element_type3A_249 : vector<16xi32>
        %add3A_338 = arith.addi %convert_element_type3A_244, %mul3A_337 : vector<16xi32>
        %mul3A_339 = arith.constant 64 : i32
        %mul3A_340 = arith.muli %scan3A_83, %mul3A_339 : i32
        %add3A_341 = vector.broadcast %mul3A_340 : i32 to vector<16xi32>
        %add3A_342 = arith.addi %add3A_341, %add3A_338 : vector<16xi32>
        %mul3A_343 = arith.muli %convert_element_type3A_334, %add3A_342 : vector<16xi32>
        %sub3A_344 = arith.constant 1 : i32
        %sub3A_345 = vector.broadcast %sub3A_344 : i32 to vector<16xi32>
        %sub3A_346 = arith.subi %sub3A_345, %convert_element_type3A_334 : vector<16xi32>
        %mul3A_347 = arith.constant 1024 : i32
        %mul3A_348 = vector.broadcast %mul3A_347 : i32 to vector<16xi32>
        %mul3A_349 = arith.muli %sub3A_346, %mul3A_348 : vector<16xi32>
        %add3A_350 = arith.addi %mul3A_343, %mul3A_349 : vector<16xi32>
        %mul3A_351 = arith.constant 4 : i32
        %mul3A_352 = arith.muli %scan3A_83, %mul3A_351 : i32
        %add3A_353 = arith.constant 1 : i32
        %add3A_354 = arith.addi %mul3A_352, %add3A_353 : i32
        %mul3A_355 = arith.constant 16 : i32
        %mul3A_356 = arith.muli %add3A_354, %mul3A_355 : i32
        %swap3A_357 = arith.index_cast %mul3A_356 : i32 to index
        %swap3A_358 = tpu.vector_load %arg14[%swap3A_357] {strides = array<i32>} : memref<1040xi32, #tpu.memory_space<vmem>>, vector<16xi32>,
        %swap3A_359 = vector.shape_cast %swap3A_358 : vector<16xi32> to vector<16xi32>
        %swap3A_360 = vector.shape_cast %add3A_350 : vector<16xi32> to vector<16xi32>
        tpu.vector_store %arg14[%swap3A_357], %swap3A_360 {strides = array<i32>} : memref<1040xi32, #tpu.memory_space<vmem>>, vector<16xi32>,
        %get3A_361 = arith.constant 32 : index
        %get3A_362 = tpu.vector_load %arg9[%get3A_361] {strides = array<i32>} : memref<64xf32, #tpu.memory_space<vmem>>, vector<16xf32>,
        %get3A_363 = vector.shape_cast %get3A_362 : vector<16xf32> to vector<16xf32>
        %get3A_364 = arith.constant 32 : index
        %get3A_365 = tpu.vector_load %arg10[%get3A_364] {strides = array<i32>} : memref<64xf32, #tpu.memory_space<vmem>>, vector<16xf32>,
        %get3A_366 = vector.shape_cast %get3A_365 : vector<16xf32> to vector<16xf32>
        %sub3A_367 = arith.subf %get3A_363, %sub3A_99 : vector<16xf32>
        %mul3A_368 = arith.constant 4.000000e+00 : f32
        %mul3A_369 = vector.broadcast %mul3A_368 : f32 to vector<16xf32>
        %mul3A_370 = arith.mulf %sub3A_367, %mul3A_369 : vector<16xf32>
        %convert_element_type3A_371 = arith.fptosi %mul3A_370 : vector<16xf32> to vector<16xi32>
        %sub3A_372 = arith.subf %add3A_102, %get3A_366 : vector<16xf32>
        %mul3A_373 = arith.constant 4.000000e+00 : f32
        %mul3A_374 = vector.broadcast %mul3A_373 : f32 to vector<16xf32>
        %mul3A_375 = arith.mulf %sub3A_372, %mul3A_374 : vector<16xf32>
        %convert_element_type3A_376 = arith.fptosi %mul3A_375 : vector<16xf32> to vector<16xi32>
        %sub3A_377 = arith.subf %add3A_105, %get3A_363 : vector<16xf32>
        %max3A_378 = arith.maximumf %sub3A_377, %broadcast_in_dim3A_110 : vector<16xf32>
        %sign3A_379 = tpu.bitcast %max3A_378 : vector<16xf32> -> vector<16xi32>
        %sign3A_380 = arith.constant -2147483648 : i32
        %sign3A_381 = vector.broadcast %sign3A_380 : i32 to vector<16xi32>
        %sign3A_382 = arith.andi %sign3A_379, %sign3A_381 : vector<16xi32>
        %sign3A_383 = arith.constant 1065353216 : i32
        %sign3A_384 = vector.broadcast %sign3A_383 : i32 to vector<16xi32>
        %sign3A_385 = arith.ori %sign3A_384, %sign3A_382 : vector<16xi32>
        %sign3A_386 = tpu.bitcast %sign3A_385 : vector<16xi32> -> vector<16xf32>
        %sign3A_387 = math.absf %max3A_378 : vector<16xf32>
        %sign3A_388 = arith.constant 0.000000e+00 : f32
        %sign3A_389 = vector.broadcast %sign3A_388 : f32 to vector<16xf32>
        %sign3A_390 = arith.cmpf ogt, %sign3A_387, %sign3A_389 : vector<16xf32>
        %sign3A_391 = arith.select %sign3A_390, %sign3A_386, %max3A_378 : vector<16xi1>, vector<16xf32>
        %sub3A_392 = arith.subf %get3A_363, %sub3A_99 : vector<16xf32>
        %max3A_393 = arith.maximumf %sub3A_392, %broadcast_in_dim3A_110 : vector<16xf32>
        %sign3A_394 = tpu.bitcast %max3A_393 : vector<16xf32> -> vector<16xi32>
        %sign3A_395 = arith.constant -2147483648 : i32
        %sign3A_396 = vector.broadcast %sign3A_395 : i32 to vector<16xi32>
        %sign3A_397 = arith.andi %sign3A_394, %sign3A_396 : vector<16xi32>
        %sign3A_398 = arith.constant 1065353216 : i32
        %sign3A_399 = vector.broadcast %sign3A_398 : i32 to vector<16xi32>
        %sign3A_400 = arith.ori %sign3A_399, %sign3A_397 : vector<16xi32>
        %sign3A_401 = tpu.bitcast %sign3A_400 : vector<16xi32> -> vector<16xf32>
        %sign3A_402 = math.absf %max3A_393 : vector<16xf32>
        %sign3A_403 = arith.constant 0.000000e+00 : f32
        %sign3A_404 = vector.broadcast %sign3A_403 : f32 to vector<16xf32>
        %sign3A_405 = arith.cmpf ogt, %sign3A_402, %sign3A_404 : vector<16xf32>
        %sign3A_406 = arith.select %sign3A_405, %sign3A_401, %max3A_393 : vector<16xi1>, vector<16xf32>
        %mul3A_407 = arith.mulf %sign3A_391, %sign3A_406 : vector<16xf32>
        %sub3A_408 = arith.subf %add3A_102, %get3A_366 : vector<16xf32>
        %max3A_409 = arith.maximumf %sub3A_408, %broadcast_in_dim3A_110 : vector<16xf32>
        %sign3A_410 = tpu.bitcast %max3A_409 : vector<16xf32> -> vector<16xi32>
        %sign3A_411 = arith.constant -2147483648 : i32
        %sign3A_412 = vector.broadcast %sign3A_411 : i32 to vector<16xi32>
        %sign3A_413 = arith.andi %sign3A_410, %sign3A_412 : vector<16xi32>
        %sign3A_414 = arith.constant 1065353216 : i32
        %sign3A_415 = vector.broadcast %sign3A_414 : i32 to vector<16xi32>
        %sign3A_416 = arith.ori %sign3A_415, %sign3A_413 : vector<16xi32>
        %sign3A_417 = tpu.bitcast %sign3A_416 : vector<16xi32> -> vector<16xf32>
        %sign3A_418 = math.absf %max3A_409 : vector<16xf32>
        %sign3A_419 = arith.constant 0.000000e+00 : f32
        %sign3A_420 = vector.broadcast %sign3A_419 : f32 to vector<16xf32>
        %sign3A_421 = arith.cmpf ogt, %sign3A_418, %sign3A_420 : vector<16xf32>
        %sign3A_422 = arith.select %sign3A_421, %sign3A_417, %max3A_409 : vector<16xi1>, vector<16xf32>
        %mul3A_423 = arith.mulf %mul3A_407, %sign3A_422 : vector<16xf32>
        %sub3A_424 = arith.subf %get3A_366, %sub3A_108 : vector<16xf32>
        %max3A_425 = arith.maximumf %sub3A_424, %broadcast_in_dim3A_110 : vector<16xf32>
        %sign3A_426 = tpu.bitcast %max3A_425 : vector<16xf32> -> vector<16xi32>
        %sign3A_427 = arith.constant -2147483648 : i32
        %sign3A_428 = vector.broadcast %sign3A_427 : i32 to vector<16xi32>
        %sign3A_429 = arith.andi %sign3A_426, %sign3A_428 : vector<16xi32>
        %sign3A_430 = arith.constant 1065353216 : i32
        %sign3A_431 = vector.broadcast %sign3A_430 : i32 to vector<16xi32>
        %sign3A_432 = arith.ori %sign3A_431, %sign3A_429 : vector<16xi32>
        %sign3A_433 = tpu.bitcast %sign3A_432 : vector<16xi32> -> vector<16xf32>
        %sign3A_434 = math.absf %max3A_425 : vector<16xf32>
        %sign3A_435 = arith.constant 0.000000e+00 : f32
        %sign3A_436 = vector.broadcast %sign3A_435 : f32 to vector<16xf32>
        %sign3A_437 = arith.cmpf ogt, %sign3A_434, %sign3A_436 : vector<16xf32>
        %sign3A_438 = arith.select %sign3A_437, %sign3A_433, %max3A_425 : vector<16xi1>, vector<16xf32>
        %mul3A_439 = arith.mulf %mul3A_423, %sign3A_438 : vector<16xf32>
        %add3A_440 = arith.constant 32 : i32
        %add3A_441 = vector.broadcast %add3A_440 : i32 to vector<16xi32>
        %add3A_442 = arith.addi %add3A_441, %iota3A : vector<16xi32>
        %sub3A_443 = vector.broadcast %add3A_87 : i32 to vector<16xi32>
        %sub3A_444 = arith.subi %add3A_442, %sub3A_443 : vector<16xi32>
        %convert_element_type3A_445 = arith.sitofp %sub3A_444 : vector<16xi32> to vector<16xf32>
        %abs3A_446 = math.absf %convert_element_type3A_445 : vector<16xf32>
        %sign3A_447 = tpu.bitcast %abs3A_446 : vector<16xf32> -> vector<16xi32>
        %sign3A_448 = arith.constant -2147483648 : i32
        %sign3A_449 = vector.broadcast %sign3A_448 : i32 to vector<16xi32>
        %sign3A_450 = arith.andi %sign3A_447, %sign3A_449 : vector<16xi32>
        %sign3A_451 = arith.constant 1065353216 : i32
        %sign3A_452 = vector.broadcast %sign3A_451 : i32 to vector<16xi32>
        %sign3A_453 = arith.ori %sign3A_452, %sign3A_450 : vector<16xi32>
        %sign3A_454 = tpu.bitcast %sign3A_453 : vector<16xi32> -> vector<16xf32>
        %sign3A_455 = math.absf %abs3A_446 : vector<16xf32>
        %sign3A_456 = arith.constant 0.000000e+00 : f32
        %sign3A_457 = vector.broadcast %sign3A_456 : f32 to vector<16xf32>
        %sign3A_458 = arith.cmpf ogt, %sign3A_455, %sign3A_457 : vector<16xf32>
        %sign3A_459 = arith.select %sign3A_458, %sign3A_454, %abs3A_446 : vector<16xi1>, vector<16xf32>
        %mul3A_460 = arith.mulf %mul3A_439, %sign3A_459 : vector<16xf32>
        %convert_element_type3A_461 = arith.fptosi %mul3A_460 : vector<16xf32> to vector<16xi32>
        %mul3A_462 = arith.constant 8 : i32
        %mul3A_463 = vector.broadcast %mul3A_462 : i32 to vector<16xi32>
        %mul3A_464 = arith.muli %mul3A_463, %convert_element_type3A_376 : vector<16xi32>
        %add3A_465 = arith.addi %convert_element_type3A_371, %mul3A_464 : vector<16xi32>
        %mul3A_466 = arith.constant 64 : i32
        %mul3A_467 = arith.muli %scan3A_83, %mul3A_466 : i32
        %add3A_468 = vector.broadcast %mul3A_467 : i32 to vector<16xi32>
        %add3A_469 = arith.addi %add3A_468, %add3A_465 : vector<16xi32>
        %mul3A_470 = arith.muli %convert_element_type3A_461, %add3A_469 : vector<16xi32>
        %sub3A_471 = arith.constant 1 : i32
        %sub3A_472 = vector.broadcast %sub3A_471 : i32 to vector<16xi32>
        %sub3A_473 = arith.subi %sub3A_472, %convert_element_type3A_461 : vector<16xi32>
        %mul3A_474 = arith.constant 1024 : i32
        %mul3A_475 = vector.broadcast %mul3A_474 : i32 to vector<16xi32>
        %mul3A_476 = arith.muli %sub3A_473, %mul3A_475 : vector<16xi32>
        %add3A_477 = arith.addi %mul3A_470, %mul3A_476 : vector<16xi32>
        %mul3A_478 = arith.constant 4 : i32
        %mul3A_479 = arith.muli %scan3A_83, %mul3A_478 : i32
        %add3A_480 = arith.constant 2 : i32
        %add3A_481 = arith.addi %mul3A_479, %add3A_480 : i32
        %mul3A_482 = arith.constant 16 : i32
        %mul3A_483 = arith.muli %add3A_481, %mul3A_482 : i32
        %swap3A_484 = arith.index_cast %mul3A_483 : i32 to index
        %swap3A_485 = tpu.vector_load %arg14[%swap3A_484] {strides = array<i32>} : memref<1040xi32, #tpu.memory_space<vmem>>, vector<16xi32>,
        %swap3A_486 = vector.shape_cast %swap3A_485 : vector<16xi32> to vector<16xi32>
        %swap3A_487 = vector.shape_cast %add3A_477 : vector<16xi32> to vector<16xi32>
        tpu.vector_store %arg14[%swap3A_484], %swap3A_487 {strides = array<i32>} : memref<1040xi32, #tpu.memory_space<vmem>>, vector<16xi32>,
        %get3A_488 = arith.constant 48 : index
        %get3A_489 = tpu.vector_load %arg9[%get3A_488] {strides = array<i32>} : memref<64xf32, #tpu.memory_space<vmem>>, vector<16xf32>,
        %get3A_490 = vector.shape_cast %get3A_489 : vector<16xf32> to vector<16xf32>
        %get3A_491 = arith.constant 48 : index
        %get3A_492 = tpu.vector_load %arg10[%get3A_491] {strides = array<i32>} : memref<64xf32, #tpu.memory_space<vmem>>, vector<16xf32>,
        %get3A_493 = vector.shape_cast %get3A_492 : vector<16xf32> to vector<16xf32>
        %sub3A_494 = arith.subf %get3A_490, %sub3A_99 : vector<16xf32>
        %mul3A_495 = arith.constant 4.000000e+00 : f32
        %mul3A_496 = vector.broadcast %mul3A_495 : f32 to vector<16xf32>
        %mul3A_497 = arith.mulf %sub3A_494, %mul3A_496 : vector<16xf32>
        %convert_element_type3A_498 = arith.fptosi %mul3A_497 : vector<16xf32> to vector<16xi32>
        %sub3A_499 = arith.subf %add3A_102, %get3A_493 : vector<16xf32>
        %mul3A_500 = arith.constant 4.000000e+00 : f32
        %mul3A_501 = vector.broadcast %mul3A_500 : f32 to vector<16xf32>
        %mul3A_502 = arith.mulf %sub3A_499, %mul3A_501 : vector<16xf32>
        %convert_element_type3A_503 = arith.fptosi %mul3A_502 : vector<16xf32> to vector<16xi32>
        %sub3A_504 = arith.subf %add3A_105, %get3A_490 : vector<16xf32>
        %max3A_505 = arith.maximumf %sub3A_504, %broadcast_in_dim3A_110 : vector<16xf32>
        %sign3A_506 = tpu.bitcast %max3A_505 : vector<16xf32> -> vector<16xi32>
        %sign3A_507 = arith.constant -2147483648 : i32
        %sign3A_508 = vector.broadcast %sign3A_507 : i32 to vector<16xi32>
        %sign3A_509 = arith.andi %sign3A_506, %sign3A_508 : vector<16xi32>
        %sign3A_510 = arith.constant 1065353216 : i32
        %sign3A_511 = vector.broadcast %sign3A_510 : i32 to vector<16xi32>
        %sign3A_512 = arith.ori %sign3A_511, %sign3A_509 : vector<16xi32>
        %sign3A_513 = tpu.bitcast %sign3A_512 : vector<16xi32> -> vector<16xf32>
        %sign3A_514 = math.absf %max3A_505 : vector<16xf32>
        %sign3A_515 = arith.constant 0.000000e+00 : f32
        %sign3A_516 = vector.broadcast %sign3A_515 : f32 to vector<16xf32>
        %sign3A_517 = arith.cmpf ogt, %sign3A_514, %sign3A_516 : vector<16xf32>
        %sign3A_518 = arith.select %sign3A_517, %sign3A_513, %max3A_505 : vector<16xi1>, vector<16xf32>
        %sub3A_519 = arith.subf %get3A_490, %sub3A_99 : vector<16xf32>
        %max3A_520 = arith.maximumf %sub3A_519, %broadcast_in_dim3A_110 : vector<16xf32>
        %sign3A_521 = tpu.bitcast %max3A_520 : vector<16xf32> -> vector<16xi32>
        %sign3A_522 = arith.constant -2147483648 : i32
        %sign3A_523 = vector.broadcast %sign3A_522 : i32 to vector<16xi32>
        %sign3A_524 = arith.andi %sign3A_521, %sign3A_523 : vector<16xi32>
        %sign3A_525 = arith.constant 1065353216 : i32
        %sign3A_526 = vector.broadcast %sign3A_525 : i32 to vector<16xi32>
        %sign3A_527 = arith.ori %sign3A_526, %sign3A_524 : vector<16xi32>
        %sign3A_528 = tpu.bitcast %sign3A_527 : vector<16xi32> -> vector<16xf32>
        %sign3A_529 = math.absf %max3A_520 : vector<16xf32>
        %sign3A_530 = arith.constant 0.000000e+00 : f32
        %sign3A_531 = vector.broadcast %sign3A_530 : f32 to vector<16xf32>
        %sign3A_532 = arith.cmpf ogt, %sign3A_529, %sign3A_531 : vector<16xf32>
        %sign3A_533 = arith.select %sign3A_532, %sign3A_528, %max3A_520 : vector<16xi1>, vector<16xf32>
        %mul3A_534 = arith.mulf %sign3A_518, %sign3A_533 : vector<16xf32>
        %sub3A_535 = arith.subf %add3A_102, %get3A_493 : vector<16xf32>
        %max3A_536 = arith.maximumf %sub3A_535, %broadcast_in_dim3A_110 : vector<16xf32>
        %sign3A_537 = tpu.bitcast %max3A_536 : vector<16xf32> -> vector<16xi32>
        %sign3A_538 = arith.constant -2147483648 : i32
        %sign3A_539 = vector.broadcast %sign3A_538 : i32 to vector<16xi32>
        %sign3A_540 = arith.andi %sign3A_537, %sign3A_539 : vector<16xi32>
        %sign3A_541 = arith.constant 1065353216 : i32
        %sign3A_542 = vector.broadcast %sign3A_541 : i32 to vector<16xi32>
        %sign3A_543 = arith.ori %sign3A_542, %sign3A_540 : vector<16xi32>
        %sign3A_544 = tpu.bitcast %sign3A_543 : vector<16xi32> -> vector<16xf32>
        %sign3A_545 = math.absf %max3A_536 : vector<16xf32>
        %sign3A_546 = arith.constant 0.000000e+00 : f32
        %sign3A_547 = vector.broadcast %sign3A_546 : f32 to vector<16xf32>
        %sign3A_548 = arith.cmpf ogt, %sign3A_545, %sign3A_547 : vector<16xf32>
        %sign3A_549 = arith.select %sign3A_548, %sign3A_544, %max3A_536 : vector<16xi1>, vector<16xf32>
        %mul3A_550 = arith.mulf %mul3A_534, %sign3A_549 : vector<16xf32>
        %sub3A_551 = arith.subf %get3A_493, %sub3A_108 : vector<16xf32>
        %max3A_552 = arith.maximumf %sub3A_551, %broadcast_in_dim3A_110 : vector<16xf32>
        %sign3A_553 = tpu.bitcast %max3A_552 : vector<16xf32> -> vector<16xi32>
        %sign3A_554 = arith.constant -2147483648 : i32
        %sign3A_555 = vector.broadcast %sign3A_554 : i32 to vector<16xi32>
        %sign3A_556 = arith.andi %sign3A_553, %sign3A_555 : vector<16xi32>
        %sign3A_557 = arith.constant 1065353216 : i32
        %sign3A_558 = vector.broadcast %sign3A_557 : i32 to vector<16xi32>
        %sign3A_559 = arith.ori %sign3A_558, %sign3A_556 : vector<16xi32>
        %sign3A_560 = tpu.bitcast %sign3A_559 : vector<16xi32> -> vector<16xf32>
        %sign3A_561 = math.absf %max3A_552 : vector<16xf32>
        %sign3A_562 = arith.constant 0.000000e+00 : f32
        %sign3A_563 = vector.broadcast %sign3A_562 : f32 to vector<16xf32>
        %sign3A_564 = arith.cmpf ogt, %sign3A_561, %sign3A_563 : vector<16xf32>
        %sign3A_565 = arith.select %sign3A_564, %sign3A_560, %max3A_552 : vector<16xi1>, vector<16xf32>
        %mul3A_566 = arith.mulf %mul3A_550, %sign3A_565 : vector<16xf32>
        %add3A_567 = arith.constant 48 : i32
        %add3A_568 = vector.broadcast %add3A_567 : i32 to vector<16xi32>
        %add3A_569 = arith.addi %add3A_568, %iota3A : vector<16xi32>
        %sub3A_570 = vector.broadcast %add3A_87 : i32 to vector<16xi32>
        %sub3A_571 = arith.subi %add3A_569, %sub3A_570 : vector<16xi32>
        %convert_element_type3A_572 = arith.sitofp %sub3A_571 : vector<16xi32> to vector<16xf32>
        %abs3A_573 = math.absf %convert_element_type3A_572 : vector<16xf32>
        %sign3A_574 = tpu.bitcast %abs3A_573 : vector<16xf32> -> vector<16xi32>
        %sign3A_575 = arith.constant -2147483648 : i32
        %sign3A_576 = vector.broadcast %sign3A_575 : i32 to vector<16xi32>
        %sign3A_577 = arith.andi %sign3A_574, %sign3A_576 : vector<16xi32>
        %sign3A_578 = arith.constant 1065353216 : i32
        %sign3A_579 = vector.broadcast %sign3A_578 : i32 to vector<16xi32>
        %sign3A_580 = arith.ori %sign3A_579, %sign3A_577 : vector<16xi32>
        %sign3A_581 = tpu.bitcast %sign3A_580 : vector<16xi32> -> vector<16xf32>
        %sign3A_582 = math.absf %abs3A_573 : vector<16xf32>
        %sign3A_583 = arith.constant 0.000000e+00 : f32
        %sign3A_584 = vector.broadcast %sign3A_583 : f32 to vector<16xf32>
        %sign3A_585 = arith.cmpf ogt, %sign3A_582, %sign3A_584 : vector<16xf32>
        %sign3A_586 = arith.select %sign3A_585, %sign3A_581, %abs3A_573 : vector<16xi1>, vector<16xf32>
        %mul3A_587 = arith.mulf %mul3A_566, %sign3A_586 : vector<16xf32>
        %convert_element_type3A_588 = arith.fptosi %mul3A_587 : vector<16xf32> to vector<16xi32>
        %mul3A_589 = arith.constant 8 : i32
        %mul3A_590 = vector.broadcast %mul3A_589 : i32 to vector<16xi32>
        %mul3A_591 = arith.muli %mul3A_590, %convert_element_type3A_503 : vector<16xi32>
        %add3A_592 = arith.addi %convert_element_type3A_498, %mul3A_591 : vector<16xi32>
        %mul3A_593 = arith.constant 64 : i32
        %mul3A_594 = arith.muli %scan3A_83, %mul3A_593 : i32
        %add3A_595 = vector.broadcast %mul3A_594 : i32 to vector<16xi32>
        %add3A_596 = arith.addi %add3A_595, %add3A_592 : vector<16xi32>
        %mul3A_597 = arith.muli %convert_element_type3A_588, %add3A_596 : vector<16xi32>
        %sub3A_598 = arith.constant 1 : i32
        %sub3A_599 = vector.broadcast %sub3A_598 : i32 to vector<16xi32>
        %sub3A_600 = arith.subi %sub3A_599, %convert_element_type3A_588 : vector<16xi32>
        %mul3A_601 = arith.constant 1024 : i32
        %mul3A_602 = vector.broadcast %mul3A_601 : i32 to vector<16xi32>
        %mul3A_603 = arith.muli %sub3A_600, %mul3A_602 : vector<16xi32>
        %add3A_604 = arith.addi %mul3A_597, %mul3A_603 : vector<16xi32>
        %mul3A_605 = arith.constant 4 : i32
        %mul3A_606 = arith.muli %scan3A_83, %mul3A_605 : i32
        %add3A_607 = arith.constant 3 : i32
        %add3A_608 = arith.addi %mul3A_606, %add3A_607 : i32
        %mul3A_609 = arith.constant 16 : i32
        %mul3A_610 = arith.muli %add3A_608, %mul3A_609 : i32
        %swap3A_611 = arith.index_cast %mul3A_610 : i32 to index
        %swap3A_612 = tpu.vector_load %arg14[%swap3A_611] {strides = array<i32>} : memref<1040xi32, #tpu.memory_space<vmem>>, vector<16xi32>,
        %swap3A_613 = vector.shape_cast %swap3A_612 : vector<16xi32> to vector<16xi32>
        %swap3A_614 = vector.shape_cast %add3A_604 : vector<16xi32> to vector<16xi32>
        tpu.vector_store %arg14[%swap3A_611], %swap3A_614 {strides = array<i32>} : memref<1040xi32, #tpu.memory_space<vmem>>, vector<16xi32>,
        %scan3A_615 = arith.constant 0 : i32
        scf.yield %scan3A_615 : i32
      }
      %scan3A_72 = arith.constant 16 : i32
      %scan3A_73 = arith.constant 0 : i32
      %scan3A_74 = arith.constant 0 : i32
      %scan3A_75 = arith.constant 256 : i32
      %scan3A_76 = arith.addi %scan3A_74, %scan3A_75 : i32
      %scan3A_77 = arith.constant 1 : i32
      %scan3A_78 = scf.for %scan3A_83 = %scan3A_74 to %scan3A_76 step %scan3A_77 iter_args(%scan3A_84 = %scan3A_73) -> (i32)  : i32 {
        %mul3A_85 = arith.constant 4 : i32
        %mul3A_86 = arith.muli %scan3A_83, %mul3A_85 : i32
        %add3A_87 = arith.constant 0 : i32
        %add3A_88 = arith.addi %mul3A_86, %add3A_87 : i32
        %get3A = arith.index_cast %add3A_88 : i32 to index
        %get3A_89 = tpu.vector_load %arg14[%get3A] {strides = array<i32>} : memref<1040xi32, #tpu.memory_space<vmem>>, vector<16xi32>,
        %get3A_90 = vector.shape_cast %get3A_89 : vector<16xi32> to vector<16xi32>
        %slice3A = vector.extract_strided_slice %get3A_90 {offsets = [0], sizes = [1], strides = [1]} : vector<16xi32> to vector<1xi32>
        %squeeze3A = vector.extract %slice3A[0] : i32 from vector<1xi32>
        %ne3A_91 = arith.constant 1024 : i32
        %ne3A_92 = arith.cmpi ne, %squeeze3A, %ne3A_91 : i32
        %convert_element_type3A = arith.extui %ne3A_92 : i1 to i32
        %cond3A = arith.constant 0 : i32
        %cond3A_93 = arith.cmpi ne, %convert_element_type3A, %cond3A : i32
        scf.if %cond3A_93 {
          %jit3A_137 = arith.constant 64 : i32
          %eq3A_138 = arith.constant 0 : i32
          %eq3A_139 = arith.cmpi eq, %jit3A_137, %eq3A_138 : i32
          %jit3A_140 = arith.constant 1 : i32
          %select_n3A_141 = arith.select %eq3A_139, %jit3A_140, %jit3A_137 : i32
          %rem3A_142 = arith.remsi %add3A_88, %select_n3A_141 : i32
          %ne3A_143 = arith.constant 0 : i32
          %ne3A_144 = arith.cmpi ne, %rem3A_142, %ne3A_143 : i32
          %lt3A_145 = arith.constant 0 : i32
          %lt3A_146 = arith.cmpi slt, %rem3A_142, %lt3A_145 : i32
          %lt3A_147 = arith.constant 0 : i32
          %lt3A_148 = arith.cmpi slt, %select_n3A_141, %lt3A_147 : i32
          %ne3A_149 = arith.xori %lt3A_146, %lt3A_148 : i1
          %and3A_150 = arith.andi %ne3A_149, %ne3A_144 : i1
          %add3A_151 = arith.addi %rem3A_142, %select_n3A_141 : i32
          %select_n3A_152 = arith.select %and3A_150, %add3A_151, %rem3A_142 : i32
          %mul3A_153 = arith.constant 64 : i32
          %mul3A_154 = arith.muli %select_n3A_152, %mul3A_153 : i32
          %add3A_155 = arith.constant 0 : i32
          %add3A_156 = arith.addi %mul3A_154, %add3A_155 : i32
          %get3A_157 = arith.index_cast %add3A_156 : i32 to index
          %get3A_158 = tpu.vector_load %arg8[%get3A_157] {strides = array<i32>} : memref<4096xf32, #tpu.memory_space<vmem>>, vector<16xf32>,
          %get3A_159 = vector.shape_cast %get3A_158 : vector<16xf32> to vector<16xf32>
          %mul3A_160 = arith.constant 64 : i32
          %mul3A_161 = arith.muli %squeeze3A, %mul3A_160 : i32
          %add3A_162 = arith.constant 0 : i32
          %add3A_163 = arith.addi %mul3A_161, %add3A_162 : i32
          %swap3A = arith.index_cast %add3A_163 : i32 to index
          %swap3A_164 = tpu.vector_load %arg13[%swap3A] {strides = array<i32>} : memref<65792xf32, #tpu.memory_space<vmem>>, vector<16xf32>,
          %swap3A_165 = vector.shape_cast %swap3A_164 : vector<16xf32> to vector<16xf32>
          %swap3A_166 = vector.shape_cast %get3A_159 : vector<16xf32> to vector<16xf32>
          tpu.vector_store %arg13[%swap3A], %swap3A_166 {add = true, strides = array<i32>} : memref<65792xf32, #tpu.memory_space<vmem>>, vector<16xf32>,
          %mul3A_167 = arith.constant 64 : i32
          %mul3A_168 = arith.muli %select_n3A_152, %mul3A_167 : i32
          %add3A_169 = arith.constant 16 : i32
          %add3A_170 = arith.addi %mul3A_168, %add3A_169 : i32
          %get3A_171 = arith.index_cast %add3A_170 : i32 to index
          %get3A_172 = tpu.vector_load %arg8[%get3A_171] {strides = array<i32>} : memref<4096xf32, #tpu.memory_space<vmem>>, vector<16xf32>,
          %get3A_173 = vector.shape_cast %get3A_172 : vector<16xf32> to vector<16xf32>
          %mul3A_174 = arith.constant 64 : i32
          %mul3A_175 = arith.muli %squeeze3A, %mul3A_174 : i32
          %add3A_176 = arith.constant 16 : i32
          %add3A_177 = arith.addi %mul3A_175, %add3A_176 : i32
          %swap3A_178 = arith.index_cast %add3A_177 : i32 to index
          %swap3A_179 = tpu.vector_load %arg13[%swap3A_178] {strides = array<i32>} : memref<65792xf32, #tpu.memory_space<vmem>>, vector<16xf32>,
          %swap3A_180 = vector.shape_cast %swap3A_179 : vector<16xf32> to vector<16xf32>
          %swap3A_181 = vector.shape_cast %get3A_173 : vector<16xf32> to vector<16xf32>
          tpu.vector_store %arg13[%swap3A_178], %swap3A_181 {add = true, strides = array<i32>} : memref<65792xf32, #tpu.memory_space<vmem>>, vector<16xf32>,
          %mul3A_182 = arith.constant 64 : i32
          %mul3A_183 = arith.muli %select_n3A_152, %mul3A_182 : i32
          %add3A_184 = arith.constant 32 : i32
          %add3A_185 = arith.addi %mul3A_183, %add3A_184 : i32
          %get3A_186 = arith.index_cast %add3A_185 : i32 to index
          %get3A_187 = tpu.vector_load %arg8[%get3A_186] {strides = array<i32>} : memref<4096xf32, #tpu.memory_space<vmem>>, vector<16xf32>,
          %get3A_188 = vector.shape_cast %get3A_187 : vector<16xf32> to vector<16xf32>
          %mul3A_189 = arith.constant 64 : i32
          %mul3A_190 = arith.muli %squeeze3A, %mul3A_189 : i32
          %add3A_191 = arith.constant 32 : i32
          %add3A_192 = arith.addi %mul3A_190, %add3A_191 : i32
          %swap3A_193 = arith.index_cast %add3A_192 : i32 to index
          %swap3A_194 = tpu.vector_load %arg13[%swap3A_193] {strides = array<i32>} : memref<65792xf32, #tpu.memory_space<vmem>>, vector<16xf32>,
          %swap3A_195 = vector.shape_cast %swap3A_194 : vector<16xf32> to vector<16xf32>
          %swap3A_196 = vector.shape_cast %get3A_188 : vector<16xf32> to vector<16xf32>
          tpu.vector_store %arg13[%swap3A_193], %swap3A_196 {add = true, strides = array<i32>} : memref<65792xf32, #tpu.memory_space<vmem>>, vector<16xf32>,
          %mul3A_197 = arith.constant 64 : i32
          %mul3A_198 = arith.muli %select_n3A_152, %mul3A_197 : i32
          %add3A_199 = arith.constant 48 : i32
          %add3A_200 = arith.addi %mul3A_198, %add3A_199 : i32
          %get3A_201 = arith.index_cast %add3A_200 : i32 to index
          %get3A_202 = tpu.vector_load %arg8[%get3A_201] {strides = array<i32>} : memref<4096xf32, #tpu.memory_space<vmem>>, vector<16xf32>,
          %get3A_203 = vector.shape_cast %get3A_202 : vector<16xf32> to vector<16xf32>
          %mul3A_204 = arith.constant 64 : i32
          %mul3A_205 = arith.muli %squeeze3A, %mul3A_204 : i32
          %add3A_206 = arith.constant 48 : i32
          %add3A_207 = arith.addi %mul3A_205, %add3A_206 : i32
          %swap3A_208 = arith.index_cast %add3A_207 : i32 to index
          %swap3A_209 = tpu.vector_load %arg13[%swap3A_208] {strides = array<i32>} : memref<65792xf32, #tpu.memory_space<vmem>>, vector<16xf32>,
          %swap3A_210 = vector.shape_cast %swap3A_209 : vector<16xf32> to vector<16xf32>
          %swap3A_211 = vector.shape_cast %get3A_203 : vector<16xf32> to vector<16xf32>
          tpu.vector_store %arg13[%swap3A_208], %swap3A_211 {add = true, strides = array<i32>} : memref<65792xf32, #tpu.memory_space<vmem>>, vector<16xf32>,
        } else {
        }
        %mul3A_94 = arith.constant 4 : i32
        %mul3A_95 = arith.muli %scan3A_83, %mul3A_94 : i32
        %add3A_96 = arith.constant 1 : i32
        %add3A_97 = arith.addi %mul3A_95, %add3A_96 : i32
        %get3A_98 = arith.index_cast %add3A_97 : i32 to index
        %get3A_99 = tpu.vector_load %arg14[%get3A_98] {strides = array<i32>} : memref<1040xi32, #tpu.memory_space<vmem>>, vector<16xi32>,
        %get3A_100 = vector.shape_cast %get3A_99 : vector<16xi32> to vector<16xi32>
        %slice3A_101 = vector.extract_strided_slice %get3A_100 {offsets = [0], sizes = [1], strides = [1]} : vector<16xi32> to vector<1xi32>
        %squeeze3A_102 = vector.extract %slice3A_101[0] : i32 from vector<1xi32>
        %ne3A_103 = arith.constant 1024 : i32
        %ne3A_104 = arith.cmpi ne, %squeeze3A_102, %ne3A_103 : i32
        %convert_element_type3A_105 = arith.extui %ne3A_104 : i1 to i32
        %cond3A_106 = arith.constant 0 : i32
        %cond3A_107 = arith.cmpi ne, %convert_element_type3A_105, %cond3A_106 : i32
        scf.if %cond3A_107 {
          %jit3A_137 = arith.constant 64 : i32
          %eq3A_138 = arith.constant 0 : i32
          %eq3A_139 = arith.cmpi eq, %jit3A_137, %eq3A_138 : i32
          %jit3A_140 = arith.constant 1 : i32
          %select_n3A_141 = arith.select %eq3A_139, %jit3A_140, %jit3A_137 : i32
          %rem3A_142 = arith.remsi %add3A_97, %select_n3A_141 : i32
          %ne3A_143 = arith.constant 0 : i32
          %ne3A_144 = arith.cmpi ne, %rem3A_142, %ne3A_143 : i32
          %lt3A_145 = arith.constant 0 : i32
          %lt3A_146 = arith.cmpi slt, %rem3A_142, %lt3A_145 : i32
          %lt3A_147 = arith.constant 0 : i32
          %lt3A_148 = arith.cmpi slt, %select_n3A_141, %lt3A_147 : i32
          %ne3A_149 = arith.xori %lt3A_146, %lt3A_148 : i1
          %and3A_150 = arith.andi %ne3A_149, %ne3A_144 : i1
          %add3A_151 = arith.addi %rem3A_142, %select_n3A_141 : i32
          %select_n3A_152 = arith.select %and3A_150, %add3A_151, %rem3A_142 : i32
          %mul3A_153 = arith.constant 64 : i32
          %mul3A_154 = arith.muli %select_n3A_152, %mul3A_153 : i32
          %add3A_155 = arith.constant 0 : i32
          %add3A_156 = arith.addi %mul3A_154, %add3A_155 : i32
          %get3A_157 = arith.index_cast %add3A_156 : i32 to index
          %get3A_158 = tpu.vector_load %arg8[%get3A_157] {strides = array<i32>} : memref<4096xf32, #tpu.memory_space<vmem>>, vector<16xf32>,
          %get3A_159 = vector.shape_cast %get3A_158 : vector<16xf32> to vector<16xf32>
          %mul3A_160 = arith.constant 64 : i32
          %mul3A_161 = arith.muli %squeeze3A_102, %mul3A_160 : i32
          %add3A_162 = arith.constant 0 : i32
          %add3A_163 = arith.addi %mul3A_161, %add3A_162 : i32
          %swap3A = arith.index_cast %add3A_163 : i32 to index
          %swap3A_164 = tpu.vector_load %arg13[%swap3A] {strides = array<i32>} : memref<65792xf32, #tpu.memory_space<vmem>>, vector<16xf32>,
          %swap3A_165 = vector.shape_cast %swap3A_164 : vector<16xf32> to vector<16xf32>
          %swap3A_166 = vector.shape_cast %get3A_159 : vector<16xf32> to vector<16xf32>
          tpu.vector_store %arg13[%swap3A], %swap3A_166 {add = true, strides = array<i32>} : memref<65792xf32, #tpu.memory_space<vmem>>, vector<16xf32>,
          %mul3A_167 = arith.constant 64 : i32
          %mul3A_168 = arith.muli %select_n3A_152, %mul3A_167 : i32
          %add3A_169 = arith.constant 16 : i32
          %add3A_170 = arith.addi %mul3A_168, %add3A_169 : i32
          %get3A_171 = arith.index_cast %add3A_170 : i32 to index
          %get3A_172 = tpu.vector_load %arg8[%get3A_171] {strides = array<i32>} : memref<4096xf32, #tpu.memory_space<vmem>>, vector<16xf32>,
          %get3A_173 = vector.shape_cast %get3A_172 : vector<16xf32> to vector<16xf32>
          %mul3A_174 = arith.constant 64 : i32
          %mul3A_175 = arith.muli %squeeze3A_102, %mul3A_174 : i32
          %add3A_176 = arith.constant 16 : i32
          %add3A_177 = arith.addi %mul3A_175, %add3A_176 : i32
          %swap3A_178 = arith.index_cast %add3A_177 : i32 to index
          %swap3A_179 = tpu.vector_load %arg13[%swap3A_178] {strides = array<i32>} : memref<65792xf32, #tpu.memory_space<vmem>>, vector<16xf32>,
          %swap3A_180 = vector.shape_cast %swap3A_179 : vector<16xf32> to vector<16xf32>
          %swap3A_181 = vector.shape_cast %get3A_173 : vector<16xf32> to vector<16xf32>
          tpu.vector_store %arg13[%swap3A_178], %swap3A_181 {add = true, strides = array<i32>} : memref<65792xf32, #tpu.memory_space<vmem>>, vector<16xf32>,
          %mul3A_182 = arith.constant 64 : i32
          %mul3A_183 = arith.muli %select_n3A_152, %mul3A_182 : i32
          %add3A_184 = arith.constant 32 : i32
          %add3A_185 = arith.addi %mul3A_183, %add3A_184 : i32
          %get3A_186 = arith.index_cast %add3A_185 : i32 to index
          %get3A_187 = tpu.vector_load %arg8[%get3A_186] {strides = array<i32>} : memref<4096xf32, #tpu.memory_space<vmem>>, vector<16xf32>,
          %get3A_188 = vector.shape_cast %get3A_187 : vector<16xf32> to vector<16xf32>
          %mul3A_189 = arith.constant 64 : i32
          %mul3A_190 = arith.muli %squeeze3A_102, %mul3A_189 : i32
          %add3A_191 = arith.constant 32 : i32
          %add3A_192 = arith.addi %mul3A_190, %add3A_191 : i32
          %swap3A_193 = arith.index_cast %add3A_192 : i32 to index
          %swap3A_194 = tpu.vector_load %arg13[%swap3A_193] {strides = array<i32>} : memref<65792xf32, #tpu.memory_space<vmem>>, vector<16xf32>,
          %swap3A_195 = vector.shape_cast %swap3A_194 : vector<16xf32> to vector<16xf32>
          %swap3A_196 = vector.shape_cast %get3A_188 : vector<16xf32> to vector<16xf32>
          tpu.vector_store %arg13[%swap3A_193], %swap3A_196 {add = true, strides = array<i32>} : memref<65792xf32, #tpu.memory_space<vmem>>, vector<16xf32>,
          %mul3A_197 = arith.constant 64 : i32
          %mul3A_198 = arith.muli %select_n3A_152, %mul3A_197 : i32
          %add3A_199 = arith.constant 48 : i32
          %add3A_200 = arith.addi %mul3A_198, %add3A_199 : i32
          %get3A_201 = arith.index_cast %add3A_200 : i32 to index
          %get3A_202 = tpu.vector_load %arg8[%get3A_201] {strides = array<i32>} : memref<4096xf32, #tpu.memory_space<vmem>>, vector<16xf32>,
          %get3A_203 = vector.shape_cast %get3A_202 : vector<16xf32> to vector<16xf32>
          %mul3A_204 = arith.constant 64 : i32
          %mul3A_205 = arith.muli %squeeze3A_102, %mul3A_204 : i32
          %add3A_206 = arith.constant 48 : i32
          %add3A_207 = arith.addi %mul3A_205, %add3A_206 : i32
          %swap3A_208 = arith.index_cast %add3A_207 : i32 to index
          %swap3A_209 = tpu.vector_load %arg13[%swap3A_208] {strides = array<i32>} : memref<65792xf32, #tpu.memory_space<vmem>>, vector<16xf32>,
          %swap3A_210 = vector.shape_cast %swap3A_209 : vector<16xf32> to vector<16xf32>
          %swap3A_211 = vector.shape_cast %get3A_203 : vector<16xf32> to vector<16xf32>
          tpu.vector_store %arg13[%swap3A_208], %swap3A_211 {add = true, strides = array<i32>} : memref<65792xf32, #tpu.memory_space<vmem>>, vector<16xf32>,
        } else {
        }
        %mul3A_108 = arith.constant 4 : i32
        %mul3A_109 = arith.muli %scan3A_83, %mul3A_108 : i32
        %add3A_110 = arith.constant 2 : i32
        %add3A_111 = arith.addi %mul3A_109, %add3A_110 : i32
        %get3A_112 = arith.index_cast %add3A_111 : i32 to index
        %get3A_113 = tpu.vector_load %arg14[%get3A_112] {strides = array<i32>} : memref<1040xi32, #tpu.memory_space<vmem>>, vector<16xi32>,
        %get3A_114 = vector.shape_cast %get3A_113 : vector<16xi32> to vector<16xi32>
        %slice3A_115 = vector.extract_strided_slice %get3A_114 {offsets = [0], sizes = [1], strides = [1]} : vector<16xi32> to vector<1xi32>
        %squeeze3A_116 = vector.extract %slice3A_115[0] : i32 from vector<1xi32>
        %ne3A_117 = arith.constant 1024 : i32
        %ne3A_118 = arith.cmpi ne, %squeeze3A_116, %ne3A_117 : i32
        %convert_element_type3A_119 = arith.extui %ne3A_118 : i1 to i32
        %cond3A_120 = arith.constant 0 : i32
        %cond3A_121 = arith.cmpi ne, %convert_element_type3A_119, %cond3A_120 : i32
        scf.if %cond3A_121 {
          %jit3A_137 = arith.constant 64 : i32
          %eq3A_138 = arith.constant 0 : i32
          %eq3A_139 = arith.cmpi eq, %jit3A_137, %eq3A_138 : i32
          %jit3A_140 = arith.constant 1 : i32
          %select_n3A_141 = arith.select %eq3A_139, %jit3A_140, %jit3A_137 : i32
          %rem3A_142 = arith.remsi %add3A_111, %select_n3A_141 : i32
          %ne3A_143 = arith.constant 0 : i32
          %ne3A_144 = arith.cmpi ne, %rem3A_142, %ne3A_143 : i32
          %lt3A_145 = arith.constant 0 : i32
          %lt3A_146 = arith.cmpi slt, %rem3A_142, %lt3A_145 : i32
          %lt3A_147 = arith.constant 0 : i32
          %lt3A_148 = arith.cmpi slt, %select_n3A_141, %lt3A_147 : i32
          %ne3A_149 = arith.xori %lt3A_146, %lt3A_148 : i1
          %and3A_150 = arith.andi %ne3A_149, %ne3A_144 : i1
          %add3A_151 = arith.addi %rem3A_142, %select_n3A_141 : i32
          %select_n3A_152 = arith.select %and3A_150, %add3A_151, %rem3A_142 : i32
          %mul3A_153 = arith.constant 64 : i32
          %mul3A_154 = arith.muli %select_n3A_152, %mul3A_153 : i32
          %add3A_155 = arith.constant 0 : i32
          %add3A_156 = arith.addi %mul3A_154, %add3A_155 : i32
          %get3A_157 = arith.index_cast %add3A_156 : i32 to index
          %get3A_158 = tpu.vector_load %arg8[%get3A_157] {strides = array<i32>} : memref<4096xf32, #tpu.memory_space<vmem>>, vector<16xf32>,
          %get3A_159 = vector.shape_cast %get3A_158 : vector<16xf32> to vector<16xf32>
          %mul3A_160 = arith.constant 64 : i32
          %mul3A_161 = arith.muli %squeeze3A_116, %mul3A_160 : i32
          %add3A_162 = arith.constant 0 : i32
          %add3A_163 = arith.addi %mul3A_161, %add3A_162 : i32
          %swap3A = arith.index_cast %add3A_163 : i32 to index
          %swap3A_164 = tpu.vector_load %arg13[%swap3A] {strides = array<i32>} : memref<65792xf32, #tpu.memory_space<vmem>>, vector<16xf32>,
          %swap3A_165 = vector.shape_cast %swap3A_164 : vector<16xf32> to vector<16xf32>
          %swap3A_166 = vector.shape_cast %get3A_159 : vector<16xf32> to vector<16xf32>
          tpu.vector_store %arg13[%swap3A], %swap3A_166 {add = true, strides = array<i32>} : memref<65792xf32, #tpu.memory_space<vmem>>, vector<16xf32>,
          %mul3A_167 = arith.constant 64 : i32
          %mul3A_168 = arith.muli %select_n3A_152, %mul3A_167 : i32
          %add3A_169 = arith.constant 16 : i32
          %add3A_170 = arith.addi %mul3A_168, %add3A_169 : i32
          %get3A_171 = arith.index_cast %add3A_170 : i32 to index
          %get3A_172 = tpu.vector_load %arg8[%get3A_171] {strides = array<i32>} : memref<4096xf32, #tpu.memory_space<vmem>>, vector<16xf32>,
          %get3A_173 = vector.shape_cast %get3A_172 : vector<16xf32> to vector<16xf32>
          %mul3A_174 = arith.constant 64 : i32
          %mul3A_175 = arith.muli %squeeze3A_116, %mul3A_174 : i32
          %add3A_176 = arith.constant 16 : i32
          %add3A_177 = arith.addi %mul3A_175, %add3A_176 : i32
          %swap3A_178 = arith.index_cast %add3A_177 : i32 to index
          %swap3A_179 = tpu.vector_load %arg13[%swap3A_178] {strides = array<i32>} : memref<65792xf32, #tpu.memory_space<vmem>>, vector<16xf32>,
          %swap3A_180 = vector.shape_cast %swap3A_179 : vector<16xf32> to vector<16xf32>
          %swap3A_181 = vector.shape_cast %get3A_173 : vector<16xf32> to vector<16xf32>
          tpu.vector_store %arg13[%swap3A_178], %swap3A_181 {add = true, strides = array<i32>} : memref<65792xf32, #tpu.memory_space<vmem>>, vector<16xf32>,
          %mul3A_182 = arith.constant 64 : i32
          %mul3A_183 = arith.muli %select_n3A_152, %mul3A_182 : i32
          %add3A_184 = arith.constant 32 : i32
          %add3A_185 = arith.addi %mul3A_183, %add3A_184 : i32
          %get3A_186 = arith.index_cast %add3A_185 : i32 to index
          %get3A_187 = tpu.vector_load %arg8[%get3A_186] {strides = array<i32>} : memref<4096xf32, #tpu.memory_space<vmem>>, vector<16xf32>,
          %get3A_188 = vector.shape_cast %get3A_187 : vector<16xf32> to vector<16xf32>
          %mul3A_189 = arith.constant 64 : i32
          %mul3A_190 = arith.muli %squeeze3A_116, %mul3A_189 : i32
          %add3A_191 = arith.constant 32 : i32
          %add3A_192 = arith.addi %mul3A_190, %add3A_191 : i32
          %swap3A_193 = arith.index_cast %add3A_192 : i32 to index
          %swap3A_194 = tpu.vector_load %arg13[%swap3A_193] {strides = array<i32>} : memref<65792xf32, #tpu.memory_space<vmem>>, vector<16xf32>,
          %swap3A_195 = vector.shape_cast %swap3A_194 : vector<16xf32> to vector<16xf32>
          %swap3A_196 = vector.shape_cast %get3A_188 : vector<16xf32> to vector<16xf32>
          tpu.vector_store %arg13[%swap3A_193], %swap3A_196 {add = true, strides = array<i32>} : memref<65792xf32, #tpu.memory_space<vmem>>, vector<16xf32>,
          %mul3A_197 = arith.constant 64 : i32
          %mul3A_198 = arith.muli %select_n3A_152, %mul3A_197 : i32
          %add3A_199 = arith.constant 48 : i32
          %add3A_200 = arith.addi %mul3A_198, %add3A_199 : i32
          %get3A_201 = arith.index_cast %add3A_200 : i32 to index
          %get3A_202 = tpu.vector_load %arg8[%get3A_201] {strides = array<i32>} : memref<4096xf32, #tpu.memory_space<vmem>>, vector<16xf32>,
          %get3A_203 = vector.shape_cast %get3A_202 : vector<16xf32> to vector<16xf32>
          %mul3A_204 = arith.constant 64 : i32
          %mul3A_205 = arith.muli %squeeze3A_116, %mul3A_204 : i32
          %add3A_206 = arith.constant 48 : i32
          %add3A_207 = arith.addi %mul3A_205, %add3A_206 : i32
          %swap3A_208 = arith.index_cast %add3A_207 : i32 to index
          %swap3A_209 = tpu.vector_load %arg13[%swap3A_208] {strides = array<i32>} : memref<65792xf32, #tpu.memory_space<vmem>>, vector<16xf32>,
          %swap3A_210 = vector.shape_cast %swap3A_209 : vector<16xf32> to vector<16xf32>
          %swap3A_211 = vector.shape_cast %get3A_203 : vector<16xf32> to vector<16xf32>
          tpu.vector_store %arg13[%swap3A_208], %swap3A_211 {add = true, strides = array<i32>} : memref<65792xf32, #tpu.memory_space<vmem>>, vector<16xf32>,
        } else {
        }
        %mul3A_122 = arith.constant 4 : i32
        %mul3A_123 = arith.muli %scan3A_83, %mul3A_122 : i32
        %add3A_124 = arith.constant 3 : i32
        %add3A_125 = arith.addi %mul3A_123, %add3A_124 : i32
        %get3A_126 = arith.index_cast %add3A_125 : i32 to index
        %get3A_127 = tpu.vector_load %arg14[%get3A_126] {strides = array<i32>} : memref<1040xi32, #tpu.memory_space<vmem>>, vector<16xi32>,
        %get3A_128 = vector.shape_cast %get3A_127 : vector<16xi32> to vector<16xi32>
        %slice3A_129 = vector.extract_strided_slice %get3A_128 {offsets = [0], sizes = [1], strides = [1]} : vector<16xi32> to vector<1xi32>
        %squeeze3A_130 = vector.extract %slice3A_129[0] : i32 from vector<1xi32>
        %ne3A_131 = arith.constant 1024 : i32
        %ne3A_132 = arith.cmpi ne, %squeeze3A_130, %ne3A_131 : i32
        %convert_element_type3A_133 = arith.extui %ne3A_132 : i1 to i32
        %cond3A_134 = arith.constant 0 : i32
        %cond3A_135 = arith.cmpi ne, %convert_element_type3A_133, %cond3A_134 : i32
        scf.if %cond3A_135 {
          %jit3A_137 = arith.constant 64 : i32
          %eq3A_138 = arith.constant 0 : i32
          %eq3A_139 = arith.cmpi eq, %jit3A_137, %eq3A_138 : i32
          %jit3A_140 = arith.constant 1 : i32
          %select_n3A_141 = arith.select %eq3A_139, %jit3A_140, %jit3A_137 : i32
          %rem3A_142 = arith.remsi %add3A_125, %select_n3A_141 : i32
          %ne3A_143 = arith.constant 0 : i32
          %ne3A_144 = arith.cmpi ne, %rem3A_142, %ne3A_143 : i32
          %lt3A_145 = arith.constant 0 : i32
          %lt3A_146 = arith.cmpi slt, %rem3A_142, %lt3A_145 : i32
          %lt3A_147 = arith.constant 0 : i32
          %lt3A_148 = arith.cmpi slt, %select_n3A_141, %lt3A_147 : i32
          %ne3A_149 = arith.xori %lt3A_146, %lt3A_148 : i1
          %and3A_150 = arith.andi %ne3A_149, %ne3A_144 : i1
          %add3A_151 = arith.addi %rem3A_142, %select_n3A_141 : i32
          %select_n3A_152 = arith.select %and3A_150, %add3A_151, %rem3A_142 : i32
          %mul3A_153 = arith.constant 64 : i32
          %mul3A_154 = arith.muli %select_n3A_152, %mul3A_153 : i32
          %add3A_155 = arith.constant 0 : i32
          %add3A_156 = arith.addi %mul3A_154, %add3A_155 : i32
          %get3A_157 = arith.index_cast %add3A_156 : i32 to index
          %get3A_158 = tpu.vector_load %arg8[%get3A_157] {strides = array<i32>} : memref<4096xf32, #tpu.memory_space<vmem>>, vector<16xf32>,
          %get3A_159 = vector.shape_cast %get3A_158 : vector<16xf32> to vector<16xf32>
          %mul3A_160 = arith.constant 64 : i32
          %mul3A_161 = arith.muli %squeeze3A_130, %mul3A_160 : i32
          %add3A_162 = arith.constant 0 : i32
          %add3A_163 = arith.addi %mul3A_161, %add3A_162 : i32
          %swap3A = arith.index_cast %add3A_163 : i32 to index
          %swap3A_164 = tpu.vector_load %arg13[%swap3A] {strides = array<i32>} : memref<65792xf32, #tpu.memory_space<vmem>>, vector<16xf32>,
          %swap3A_165 = vector.shape_cast %swap3A_164 : vector<16xf32> to vector<16xf32>
          %swap3A_166 = vector.shape_cast %get3A_159 : vector<16xf32> to vector<16xf32>
          tpu.vector_store %arg13[%swap3A], %swap3A_166 {add = true, strides = array<i32>} : memref<65792xf32, #tpu.memory_space<vmem>>, vector<16xf32>,
          %mul3A_167 = arith.constant 64 : i32
          %mul3A_168 = arith.muli %select_n3A_152, %mul3A_167 : i32
          %add3A_169 = arith.constant 16 : i32
          %add3A_170 = arith.addi %mul3A_168, %add3A_169 : i32
          %get3A_171 = arith.index_cast %add3A_170 : i32 to index
          %get3A_172 = tpu.vector_load %arg8[%get3A_171] {strides = array<i32>} : memref<4096xf32, #tpu.memory_space<vmem>>, vector<16xf32>,
          %get3A_173 = vector.shape_cast %get3A_172 : vector<16xf32> to vector<16xf32>
          %mul3A_174 = arith.constant 64 : i32
          %mul3A_175 = arith.muli %squeeze3A_130, %mul3A_174 : i32
          %add3A_176 = arith.constant 16 : i32
          %add3A_177 = arith.addi %mul3A_175, %add3A_176 : i32
          %swap3A_178 = arith.index_cast %add3A_177 : i32 to index
          %swap3A_179 = tpu.vector_load %arg13[%swap3A_178] {strides = array<i32>} : memref<65792xf32, #tpu.memory_space<vmem>>, vector<16xf32>,
          %swap3A_180 = vector.shape_cast %swap3A_179 : vector<16xf32> to vector<16xf32>
          %swap3A_181 = vector.shape_cast %get3A_173 : vector<16xf32> to vector<16xf32>
          tpu.vector_store %arg13[%swap3A_178], %swap3A_181 {add = true, strides = array<i32>} : memref<65792xf32, #tpu.memory_space<vmem>>, vector<16xf32>,
          %mul3A_182 = arith.constant 64 : i32
          %mul3A_183 = arith.muli %select_n3A_152, %mul3A_182 : i32
          %add3A_184 = arith.constant 32 : i32
          %add3A_185 = arith.addi %mul3A_183, %add3A_184 : i32
          %get3A_186 = arith.index_cast %add3A_185 : i32 to index
          %get3A_187 = tpu.vector_load %arg8[%get3A_186] {strides = array<i32>} : memref<4096xf32, #tpu.memory_space<vmem>>, vector<16xf32>,
          %get3A_188 = vector.shape_cast %get3A_187 : vector<16xf32> to vector<16xf32>
          %mul3A_189 = arith.constant 64 : i32
          %mul3A_190 = arith.muli %squeeze3A_130, %mul3A_189 : i32
          %add3A_191 = arith.constant 32 : i32
          %add3A_192 = arith.addi %mul3A_190, %add3A_191 : i32
          %swap3A_193 = arith.index_cast %add3A_192 : i32 to index
          %swap3A_194 = tpu.vector_load %arg13[%swap3A_193] {strides = array<i32>} : memref<65792xf32, #tpu.memory_space<vmem>>, vector<16xf32>,
          %swap3A_195 = vector.shape_cast %swap3A_194 : vector<16xf32> to vector<16xf32>
          %swap3A_196 = vector.shape_cast %get3A_188 : vector<16xf32> to vector<16xf32>
          tpu.vector_store %arg13[%swap3A_193], %swap3A_196 {add = true, strides = array<i32>} : memref<65792xf32, #tpu.memory_space<vmem>>, vector<16xf32>,
          %mul3A_197 = arith.constant 64 : i32
          %mul3A_198 = arith.muli %select_n3A_152, %mul3A_197 : i32
          %add3A_199 = arith.constant 48 : i32
          %add3A_200 = arith.addi %mul3A_198, %add3A_199 : i32
          %get3A_201 = arith.index_cast %add3A_200 : i32 to index
          %get3A_202 = tpu.vector_load %arg8[%get3A_201] {strides = array<i32>} : memref<4096xf32, #tpu.memory_space<vmem>>, vector<16xf32>,
          %get3A_203 = vector.shape_cast %get3A_202 : vector<16xf32> to vector<16xf32>
          %mul3A_204 = arith.constant 64 : i32
          %mul3A_205 = arith.muli %squeeze3A_130, %mul3A_204 : i32
          %add3A_206 = arith.constant 48 : i32
          %add3A_207 = arith.addi %mul3A_205, %add3A_206 : i32
          %swap3A_208 = arith.index_cast %add3A_207 : i32 to index
          %swap3A_209 = tpu.vector_load %arg13[%swap3A_208] {strides = array<i32>} : memref<65792xf32, #tpu.memory_space<vmem>>, vector<16xf32>,
          %swap3A_210 = vector.shape_cast %swap3A_209 : vector<16xf32> to vector<16xf32>
          %swap3A_211 = vector.shape_cast %get3A_203 : vector<16xf32> to vector<16xf32>
          tpu.vector_store %arg13[%swap3A_208], %swap3A_211 {add = true, strides = array<i32>} : memref<65792xf32, #tpu.memory_space<vmem>>, vector<16xf32>,
        } else {
        }
        %scan3A_136 = arith.constant 0 : i32
        scf.yield %scan3A_136 : i32
      }
      %scan3A_79 = arith.constant 256 : i32
      %mul3A_80 = arith.constant 65536 : i32
      %mul3A_81 = arith.muli %add3A_12, %mul3A_80 : i32
      "tpu.region"() ({
        %run_scoped3A = tpu.sem_alloc : memref<!tpu.dma_semaphore, #tpu.memory_space<semaphore_mem>>
        %dma_start3A = arith.constant 0 : i32
        %dma_start3A_83 = tpu.memref_slice %arg13[%dma_start3A] : memref<65792xf32, #tpu.memory_space<vmem>> -> memref<65536xf32, #tpu.memory_space<vmem>>
        %dma_start3A_84 = tpu.memref_slice %arg7[%mul3A_81] : memref<16777216xf32, #tpu.memory_space<hbm>> -> memref<65536xf32, #tpu.memory_space<hbm>>
        %dma_start3A_85 = tpu.memref_slice %arg7[%mul3A_81] : memref<16777216xf32, #tpu.memory_space<hbm>> -> memref<65536xf32, #tpu.memory_space<hbm>>
        %dma_start3A_86 = arith.constant 0 : i32
        %dma_start3A_87 = tpu.memref_slice %arg13[%dma_start3A_86] : memref<65792xf32, #tpu.memory_space<vmem>> -> memref<65536xf32, #tpu.memory_space<vmem>>
        tpu.enqueue_dma source(%dma_start3A_87 : memref<65536xf32, #tpu.memory_space<vmem>>) target(%dma_start3A_85 : memref<65536xf32, #tpu.memory_space<hbm>>) target_semaphore(%run_scoped3A : memref<!tpu.dma_semaphore, #tpu.memory_space<semaphore_mem>>)
        %dma_wait3A = arith.constant 0 : i32
        %dma_wait3A_88 = tpu.memref_slice %arg13[%dma_wait3A] : memref<65792xf32, #tpu.memory_space<vmem>> -> memref<65536xf32, #tpu.memory_space<vmem>>
        %dma_wait3A_89 = tpu.memref_slice %arg7[%mul3A_81] : memref<16777216xf32, #tpu.memory_space<hbm>> -> memref<65536xf32, #tpu.memory_space<hbm>>
        %dma_wait3A_90 = tpu.memref_slice %arg7[%mul3A_81] : memref<16777216xf32, #tpu.memory_space<hbm>> -> memref<65536xf32, #tpu.memory_space<hbm>>
        %dma_wait3A_91 = arith.constant 0 : i32
        %dma_wait3A_92 = tpu.memref_slice %arg13[%dma_wait3A_91] : memref<65792xf32, #tpu.memory_space<vmem>> -> memref<65536xf32, #tpu.memory_space<vmem>>
        tpu.wait_dma2 semaphore(%run_scoped3A : memref<!tpu.dma_semaphore, #tpu.memory_space<semaphore_mem>>) src(%dma_wait3A_92 : memref<65536xf32, #tpu.memory_space<vmem>>) dst(%dma_wait3A_90 : memref<65536xf32, #tpu.memory_space<hbm>>)
        tpu.yield
      }) : () -> ()
      %scan3A_82 = arith.constant 0 : i32
      scf.yield %scan3A_82 : i32
    }
    %scan3A_7 = arith.constant 8 : i32
    return
  }
}

module attributes {stable_mosaic.version = 14 : i64} {
  func.func @_att_kernel(%arg0: i32, %arg1: memref<4096x64xf32, #tpu.memory_space<vmem>>, %arg2: memref<64x64xf32, #tpu.memory_space<vmem>>, %arg3: memref<64x2xf32, #tpu.memory_space<vmem>>, %arg4: memref<64x2xf32, #tpu.memory_space<vmem>>, %arg5: memref<64x1024xf32, #tpu.memory_space<vmem>>, %arg6: memref<64x1024xf32, #tpu.memory_space<vmem>>, %arg7: memref<4x4xf32, #tpu.memory_space<vmem>>, %arg8: memref<4x1024xf32, #tpu.memory_space<vmem>>, %arg9: memref<1x1024xf32, #tpu.memory_space<vmem>>, %arg10: memref<128x1024xf32, #tpu.memory_space<vmem>>, %arg11: memref<1024x1024xf32, #tpu.memory_space<vmem>>, %arg12: memref<1x1024xf32, #tpu.memory_space<vmem>>, %arg13: memref<1x4xf32, #tpu.memory_space<vmem>>, %arg14: memref<1x1024xf32, #tpu.memory_space<vmem>>, %arg15: memref<1x1024xf32, #tpu.memory_space<vmem>>, %arg16: memref<64x1024xf32, #tpu.memory_space<vmem>>) attributes {dimension_semantics = [#tpu.dimension_semantics<arbitrary>], iteration_bounds = array<i64: 64>, scalar_prefetch = 0 : i64, scratch_operands = 0 : i64, tpu.core_type = #tpu.core_type<tc>, window_params = [{transform_indices = @transform_0, window_bounds = array<i64: 4096, 64>}, {transform_indices = @transform_1, window_bounds = array<i64: 64, 64>}, {transform_indices = @transform_2, window_bounds = array<i64: 64, 2>}, {transform_indices = @transform_3, window_bounds = array<i64: 64, 2>}, {pipeline_mode = #tpu.pipeline_mode<synchronous>, transform_indices = @transform_4, window_bounds = array<i64: 64, 1024>}, {pipeline_mode = #tpu.pipeline_mode<synchronous>, transform_indices = @transform_5, window_bounds = array<i64: 64, 1024>}, {pipeline_mode = #tpu.pipeline_mode<synchronous>, transform_indices = @transform_6, window_bounds = array<i64: 4, 4>}, {pipeline_mode = #tpu.pipeline_mode<synchronous>, transform_indices = @transform_7, window_bounds = array<i64: 4, 1024>}, {pipeline_mode = #tpu.pipeline_mode<synchronous>, transform_indices = @transform_8, window_bounds = array<i64: 1, 1024>}, {pipeline_mode = #tpu.pipeline_mode<synchronous>, transform_indices = @transform_9, window_bounds = array<i64: 128, 1024>}, {pipeline_mode = #tpu.pipeline_mode<synchronous>, transform_indices = @transform_10, window_bounds = array<i64: 1024, 1024>}, {pipeline_mode = #tpu.pipeline_mode<synchronous>, transform_indices = @transform_11, window_bounds = array<i64: 1, 1024>}, {pipeline_mode = #tpu.pipeline_mode<synchronous>, transform_indices = @transform_12, window_bounds = array<i64: 1, 4>}, {pipeline_mode = #tpu.pipeline_mode<synchronous>, transform_indices = @transform_13, window_bounds = array<i64: 1, 1024>}, {pipeline_mode = #tpu.pipeline_mode<synchronous>, transform_indices = @transform_14, window_bounds = array<i64: 1, 1024>}, {transform_indices = @transform_15, window_bounds = array<i64: 64, 1024>}]} {
    %get3A = arith.constant 0 : index
    %get3A_0 = arith.constant 0 : index
    %get3A_1 = vector.load %arg2[%get3A, %get3A_0] : memref<64x64xf32, #tpu.memory_space<vmem>>, vector<64x64xf32>
    %get3A_2 = arith.constant 0 : index
    %get3A_3 = arith.constant 0 : index
    %get3A_4 = vector.load %arg3[%get3A_2, %get3A_3] : memref<64x2xf32, #tpu.memory_space<vmem>>, vector<64x2xf32>
    %get3A_5 = arith.constant 0 : index
    %get3A_6 = arith.constant 0 : index
    %get3A_7 = vector.load %arg4[%get3A_5, %get3A_6] : memref<64x2xf32, #tpu.memory_space<vmem>>, vector<64x2xf32>
    %get3A_8 = arith.constant 0 : index
    %get3A_9 = arith.constant 0 : index
    %get3A_10 = vector.load %arg1[%get3A_8, %get3A_9] : memref<4096x64xf32, #tpu.memory_space<vmem>>, vector<4096x64xf32>
    %concatenate3A = tpu.concatenate %get3A_4, %get3A_7 in 1 : vector<64x2xf32>, vector<64x2xf32> -> vector<64x4xf32>
    %get3A_11 = arith.constant 0 : index
    %get3A_12 = arith.constant 0 : index
    %get3A_13 = vector.load %arg7[%get3A_11, %get3A_12] : memref<4x4xf32, #tpu.memory_space<vmem>>, vector<4x4xf32>
    %dot_general3A = arith.constant dense<0.000000e+00> : vector<64x4xf32>
    %dot_general3A_14 = tpu.matmul %concatenate3A, %get3A_13, %dot_general3A {dimension_numbers = #tpu.dot_dimension_numbers<[1], [0], [0], [1], [0, 0, 1, 1], [], []>, transpose_lhs_hint = false} : vector<64x4xf32>, vector<4x4xf32>, vector<64x4xf32> -> vector<64x4xf32>
    %get3A_15 = arith.constant 0 : index
    %get3A_16 = arith.constant 0 : index
    %get3A_17 = vector.load %arg13[%get3A_15, %get3A_16] : memref<1x4xf32, #tpu.memory_space<vmem>>, vector<1x4xf32>
    %add3A = vector.broadcast %get3A_17 : vector<1x4xf32> to vector<64x4xf32>
    %add3A_18 = arith.addf %dot_general3A_14, %add3A : vector<64x4xf32>
    %get3A_19 = arith.constant 0 : index
    %get3A_20 = arith.constant 0 : index
    %get3A_21 = vector.load %arg6[%get3A_19, %get3A_20] : memref<64x1024xf32, #tpu.memory_space<vmem>>, vector<64x1024xf32>
    %dot_general3A_22 = arith.constant dense<0.000000e+00> : vector<64x1024xf32>
    %dot_general3A_23 = tpu.matmul %get3A_1, %get3A_21, %dot_general3A_22 {dimension_numbers = #tpu.dot_dimension_numbers<[1], [0], [0], [1], [0, 0, 1, 1], [], []>, transpose_lhs_hint = false} : vector<64x64xf32>, vector<64x1024xf32>, vector<64x1024xf32> -> vector<64x1024xf32>
    %get3A_24 = arith.constant 0 : index
    %get3A_25 = arith.constant 0 : index
    %get3A_26 = vector.load %arg8[%get3A_24, %get3A_25] : memref<4x1024xf32, #tpu.memory_space<vmem>>, vector<4x1024xf32>
    %dot_general3A_27 = arith.constant dense<0.000000e+00> : vector<64x1024xf32>
    %dot_general3A_28 = tpu.matmul %add3A_18, %get3A_26, %dot_general3A_27 {dimension_numbers = #tpu.dot_dimension_numbers<[1], [0], [0], [1], [0, 0, 1, 1], [], []>, transpose_lhs_hint = false} : vector<64x4xf32>, vector<4x1024xf32>, vector<64x1024xf32> -> vector<64x1024xf32>
    %add3A_29 = arith.addf %dot_general3A_23, %dot_general3A_28 : vector<64x1024xf32>
    %get3A_30 = arith.constant 0 : index
    %get3A_31 = arith.constant 0 : index
    %get3A_32 = vector.load %arg12[%get3A_30, %get3A_31] : memref<1x1024xf32, #tpu.memory_space<vmem>>, vector<1x1024xf32>
    %add3A_33 = vector.broadcast %get3A_32 : vector<1x1024xf32> to vector<64x1024xf32>
    %add3A_34 = arith.addf %add3A_29, %add3A_33 : vector<64x1024xf32>
    %get3A_35 = arith.constant 0 : index
    %get3A_36 = arith.constant 0 : index
    %get3A_37 = vector.load %arg5[%get3A_35, %get3A_36] : memref<64x1024xf32, #tpu.memory_space<vmem>>, vector<64x1024xf32>
    %get3A_38 = arith.constant 0 : index
    %get3A_39 = arith.constant 0 : index
    %get3A_40 = vector.load %arg9[%get3A_38, %get3A_39] : memref<1x1024xf32, #tpu.memory_space<vmem>>, vector<1x1024xf32>
    %reshape3A = vector.shape_cast %get3A_40 : vector<1x1024xf32> to vector<1x1x1024xf32>
    %slice3A = vector.extract_strided_slice %get3A_10 {offsets = [0, 0], sizes = [512, 64], strides = [1, 1]} : vector<4096x64xf32> to vector<512x64xf32>
    %dot_general3A_41 = arith.constant dense<0.000000e+00> : vector<512x1024xf32>
    %dot_general3A_42 = tpu.matmul %slice3A, %get3A_37, %dot_general3A_41 {dimension_numbers = #tpu.dot_dimension_numbers<[1], [0], [0], [1], [0, 0, 1, 1], [], []>, transpose_lhs_hint = false} : vector<512x64xf32>, vector<64x1024xf32>, vector<512x1024xf32> -> vector<512x1024xf32>
    %reshape3A_43 = vector.shape_cast %dot_general3A_42 : vector<512x1024xf32> to vector<8x64x1024xf32>
    %slice3A_44 = vector.extract_strided_slice %add3A_34 {offsets = [0, 0], sizes = [8, 1024], strides = [1, 1]} : vector<64x1024xf32> to vector<8x1024xf32>
    %broadcast_in_dim3A = vector.shape_cast %slice3A_44 : vector<8x1024xf32> to vector<8x1x1024xf32>
    %add3A_45 = vector.broadcast %broadcast_in_dim3A : vector<8x1x1024xf32> to vector<8x64x1024xf32>
    %add3A_46 = arith.addf %reshape3A_43, %add3A_45 : vector<8x64x1024xf32>
    %max3A = arith.constant 0.000000e+00 : f32
    %max3A_47 = vector.broadcast %max3A : f32 to vector<8x64x1024xf32>
    %max3A_48 = arith.maximumf %add3A_46, %max3A_47 : vector<8x64x1024xf32>
    %mul3A = vector.broadcast %reshape3A : vector<1x1x1024xf32> to vector<8x64x1024xf32>
    %mul3A_49 = arith.mulf %max3A_48, %mul3A : vector<8x64x1024xf32>
    %reduce_sum3A = arith.constant dense<0.000000e+00> : vector<8x64xf32>
    %reduce_sum3A_50 = vector.multi_reduction <add>, %mul3A_49, %reduce_sum3A [2] : vector<8x64x1024xf32> to vector<8x64xf32>
    %slice3A_51 = vector.extract_strided_slice %get3A_10 {offsets = [512, 0], sizes = [512, 64], strides = [1, 1]} : vector<4096x64xf32> to vector<512x64xf32>
    %dot_general3A_52 = arith.constant dense<0.000000e+00> : vector<512x1024xf32>
    %dot_general3A_53 = tpu.matmul %slice3A_51, %get3A_37, %dot_general3A_52 {dimension_numbers = #tpu.dot_dimension_numbers<[1], [0], [0], [1], [0, 0, 1, 1], [], []>, transpose_lhs_hint = false} : vector<512x64xf32>, vector<64x1024xf32>, vector<512x1024xf32> -> vector<512x1024xf32>
    %reshape3A_54 = vector.shape_cast %dot_general3A_53 : vector<512x1024xf32> to vector<8x64x1024xf32>
    %slice3A_55 = vector.extract_strided_slice %add3A_34 {offsets = [8, 0], sizes = [8, 1024], strides = [1, 1]} : vector<64x1024xf32> to vector<8x1024xf32>
    %broadcast_in_dim3A_56 = vector.shape_cast %slice3A_55 : vector<8x1024xf32> to vector<8x1x1024xf32>
    %add3A_57 = vector.broadcast %broadcast_in_dim3A_56 : vector<8x1x1024xf32> to vector<8x64x1024xf32>
    %add3A_58 = arith.addf %reshape3A_54, %add3A_57 : vector<8x64x1024xf32>
    %max3A_59 = arith.constant 0.000000e+00 : f32
    %max3A_60 = vector.broadcast %max3A_59 : f32 to vector<8x64x1024xf32>
    %max3A_61 = arith.maximumf %add3A_58, %max3A_60 : vector<8x64x1024xf32>
    %mul3A_62 = vector.broadcast %reshape3A : vector<1x1x1024xf32> to vector<8x64x1024xf32>
    %mul3A_63 = arith.mulf %max3A_61, %mul3A_62 : vector<8x64x1024xf32>
    %reduce_sum3A_64 = arith.constant dense<0.000000e+00> : vector<8x64xf32>
    %reduce_sum3A_65 = vector.multi_reduction <add>, %mul3A_63, %reduce_sum3A_64 [2] : vector<8x64x1024xf32> to vector<8x64xf32>
    %slice3A_66 = vector.extract_strided_slice %get3A_10 {offsets = [1024, 0], sizes = [512, 64], strides = [1, 1]} : vector<4096x64xf32> to vector<512x64xf32>
    %dot_general3A_67 = arith.constant dense<0.000000e+00> : vector<512x1024xf32>
    %dot_general3A_68 = tpu.matmul %slice3A_66, %get3A_37, %dot_general3A_67 {dimension_numbers = #tpu.dot_dimension_numbers<[1], [0], [0], [1], [0, 0, 1, 1], [], []>, transpose_lhs_hint = false} : vector<512x64xf32>, vector<64x1024xf32>, vector<512x1024xf32> -> vector<512x1024xf32>
    %reshape3A_69 = vector.shape_cast %dot_general3A_68 : vector<512x1024xf32> to vector<8x64x1024xf32>
    %slice3A_70 = vector.extract_strided_slice %add3A_34 {offsets = [16, 0], sizes = [8, 1024], strides = [1, 1]} : vector<64x1024xf32> to vector<8x1024xf32>
    %broadcast_in_dim3A_71 = vector.shape_cast %slice3A_70 : vector<8x1024xf32> to vector<8x1x1024xf32>
    %add3A_72 = vector.broadcast %broadcast_in_dim3A_71 : vector<8x1x1024xf32> to vector<8x64x1024xf32>
    %add3A_73 = arith.addf %reshape3A_69, %add3A_72 : vector<8x64x1024xf32>
    %max3A_74 = arith.constant 0.000000e+00 : f32
    %max3A_75 = vector.broadcast %max3A_74 : f32 to vector<8x64x1024xf32>
    %max3A_76 = arith.maximumf %add3A_73, %max3A_75 : vector<8x64x1024xf32>
    %mul3A_77 = vector.broadcast %reshape3A : vector<1x1x1024xf32> to vector<8x64x1024xf32>
    %mul3A_78 = arith.mulf %max3A_76, %mul3A_77 : vector<8x64x1024xf32>
    %reduce_sum3A_79 = arith.constant dense<0.000000e+00> : vector<8x64xf32>
    %reduce_sum3A_80 = vector.multi_reduction <add>, %mul3A_78, %reduce_sum3A_79 [2] : vector<8x64x1024xf32> to vector<8x64xf32>
    %slice3A_81 = vector.extract_strided_slice %get3A_10 {offsets = [1536, 0], sizes = [512, 64], strides = [1, 1]} : vector<4096x64xf32> to vector<512x64xf32>
    %dot_general3A_82 = arith.constant dense<0.000000e+00> : vector<512x1024xf32>
    %dot_general3A_83 = tpu.matmul %slice3A_81, %get3A_37, %dot_general3A_82 {dimension_numbers = #tpu.dot_dimension_numbers<[1], [0], [0], [1], [0, 0, 1, 1], [], []>, transpose_lhs_hint = false} : vector<512x64xf32>, vector<64x1024xf32>, vector<512x1024xf32> -> vector<512x1024xf32>
    %reshape3A_84 = vector.shape_cast %dot_general3A_83 : vector<512x1024xf32> to vector<8x64x1024xf32>
    %slice3A_85 = vector.extract_strided_slice %add3A_34 {offsets = [24, 0], sizes = [8, 1024], strides = [1, 1]} : vector<64x1024xf32> to vector<8x1024xf32>
    %broadcast_in_dim3A_86 = vector.shape_cast %slice3A_85 : vector<8x1024xf32> to vector<8x1x1024xf32>
    %add3A_87 = vector.broadcast %broadcast_in_dim3A_86 : vector<8x1x1024xf32> to vector<8x64x1024xf32>
    %add3A_88 = arith.addf %reshape3A_84, %add3A_87 : vector<8x64x1024xf32>
    %max3A_89 = arith.constant 0.000000e+00 : f32
    %max3A_90 = vector.broadcast %max3A_89 : f32 to vector<8x64x1024xf32>
    %max3A_91 = arith.maximumf %add3A_88, %max3A_90 : vector<8x64x1024xf32>
    %mul3A_92 = vector.broadcast %reshape3A : vector<1x1x1024xf32> to vector<8x64x1024xf32>
    %mul3A_93 = arith.mulf %max3A_91, %mul3A_92 : vector<8x64x1024xf32>
    %reduce_sum3A_94 = arith.constant dense<0.000000e+00> : vector<8x64xf32>
    %reduce_sum3A_95 = vector.multi_reduction <add>, %mul3A_93, %reduce_sum3A_94 [2] : vector<8x64x1024xf32> to vector<8x64xf32>
    %slice3A_96 = vector.extract_strided_slice %get3A_10 {offsets = [2048, 0], sizes = [512, 64], strides = [1, 1]} : vector<4096x64xf32> to vector<512x64xf32>
    %dot_general3A_97 = arith.constant dense<0.000000e+00> : vector<512x1024xf32>
    %dot_general3A_98 = tpu.matmul %slice3A_96, %get3A_37, %dot_general3A_97 {dimension_numbers = #tpu.dot_dimension_numbers<[1], [0], [0], [1], [0, 0, 1, 1], [], []>, transpose_lhs_hint = false} : vector<512x64xf32>, vector<64x1024xf32>, vector<512x1024xf32> -> vector<512x1024xf32>
    %reshape3A_99 = vector.shape_cast %dot_general3A_98 : vector<512x1024xf32> to vector<8x64x1024xf32>
    %slice3A_100 = vector.extract_strided_slice %add3A_34 {offsets = [32, 0], sizes = [8, 1024], strides = [1, 1]} : vector<64x1024xf32> to vector<8x1024xf32>
    %broadcast_in_dim3A_101 = vector.shape_cast %slice3A_100 : vector<8x1024xf32> to vector<8x1x1024xf32>
    %add3A_102 = vector.broadcast %broadcast_in_dim3A_101 : vector<8x1x1024xf32> to vector<8x64x1024xf32>
    %add3A_103 = arith.addf %reshape3A_99, %add3A_102 : vector<8x64x1024xf32>
    %max3A_104 = arith.constant 0.000000e+00 : f32
    %max3A_105 = vector.broadcast %max3A_104 : f32 to vector<8x64x1024xf32>
    %max3A_106 = arith.maximumf %add3A_103, %max3A_105 : vector<8x64x1024xf32>
    %mul3A_107 = vector.broadcast %reshape3A : vector<1x1x1024xf32> to vector<8x64x1024xf32>
    %mul3A_108 = arith.mulf %max3A_106, %mul3A_107 : vector<8x64x1024xf32>
    %reduce_sum3A_109 = arith.constant dense<0.000000e+00> : vector<8x64xf32>
    %reduce_sum3A_110 = vector.multi_reduction <add>, %mul3A_108, %reduce_sum3A_109 [2] : vector<8x64x1024xf32> to vector<8x64xf32>
    %slice3A_111 = vector.extract_strided_slice %get3A_10 {offsets = [2560, 0], sizes = [512, 64], strides = [1, 1]} : vector<4096x64xf32> to vector<512x64xf32>
    %dot_general3A_112 = arith.constant dense<0.000000e+00> : vector<512x1024xf32>
    %dot_general3A_113 = tpu.matmul %slice3A_111, %get3A_37, %dot_general3A_112 {dimension_numbers = #tpu.dot_dimension_numbers<[1], [0], [0], [1], [0, 0, 1, 1], [], []>, transpose_lhs_hint = false} : vector<512x64xf32>, vector<64x1024xf32>, vector<512x1024xf32> -> vector<512x1024xf32>
    %reshape3A_114 = vector.shape_cast %dot_general3A_113 : vector<512x1024xf32> to vector<8x64x1024xf32>
    %slice3A_115 = vector.extract_strided_slice %add3A_34 {offsets = [40, 0], sizes = [8, 1024], strides = [1, 1]} : vector<64x1024xf32> to vector<8x1024xf32>
    %broadcast_in_dim3A_116 = vector.shape_cast %slice3A_115 : vector<8x1024xf32> to vector<8x1x1024xf32>
    %add3A_117 = vector.broadcast %broadcast_in_dim3A_116 : vector<8x1x1024xf32> to vector<8x64x1024xf32>
    %add3A_118 = arith.addf %reshape3A_114, %add3A_117 : vector<8x64x1024xf32>
    %max3A_119 = arith.constant 0.000000e+00 : f32
    %max3A_120 = vector.broadcast %max3A_119 : f32 to vector<8x64x1024xf32>
    %max3A_121 = arith.maximumf %add3A_118, %max3A_120 : vector<8x64x1024xf32>
    %mul3A_122 = vector.broadcast %reshape3A : vector<1x1x1024xf32> to vector<8x64x1024xf32>
    %mul3A_123 = arith.mulf %max3A_121, %mul3A_122 : vector<8x64x1024xf32>
    %reduce_sum3A_124 = arith.constant dense<0.000000e+00> : vector<8x64xf32>
    %reduce_sum3A_125 = vector.multi_reduction <add>, %mul3A_123, %reduce_sum3A_124 [2] : vector<8x64x1024xf32> to vector<8x64xf32>
    %slice3A_126 = vector.extract_strided_slice %get3A_10 {offsets = [3072, 0], sizes = [512, 64], strides = [1, 1]} : vector<4096x64xf32> to vector<512x64xf32>
    %dot_general3A_127 = arith.constant dense<0.000000e+00> : vector<512x1024xf32>
    %dot_general3A_128 = tpu.matmul %slice3A_126, %get3A_37, %dot_general3A_127 {dimension_numbers = #tpu.dot_dimension_numbers<[1], [0], [0], [1], [0, 0, 1, 1], [], []>, transpose_lhs_hint = false} : vector<512x64xf32>, vector<64x1024xf32>, vector<512x1024xf32> -> vector<512x1024xf32>
    %reshape3A_129 = vector.shape_cast %dot_general3A_128 : vector<512x1024xf32> to vector<8x64x1024xf32>
    %slice3A_130 = vector.extract_strided_slice %add3A_34 {offsets = [48, 0], sizes = [8, 1024], strides = [1, 1]} : vector<64x1024xf32> to vector<8x1024xf32>
    %broadcast_in_dim3A_131 = vector.shape_cast %slice3A_130 : vector<8x1024xf32> to vector<8x1x1024xf32>
    %add3A_132 = vector.broadcast %broadcast_in_dim3A_131 : vector<8x1x1024xf32> to vector<8x64x1024xf32>
    %add3A_133 = arith.addf %reshape3A_129, %add3A_132 : vector<8x64x1024xf32>
    %max3A_134 = arith.constant 0.000000e+00 : f32
    %max3A_135 = vector.broadcast %max3A_134 : f32 to vector<8x64x1024xf32>
    %max3A_136 = arith.maximumf %add3A_133, %max3A_135 : vector<8x64x1024xf32>
    %mul3A_137 = vector.broadcast %reshape3A : vector<1x1x1024xf32> to vector<8x64x1024xf32>
    %mul3A_138 = arith.mulf %max3A_136, %mul3A_137 : vector<8x64x1024xf32>
    %reduce_sum3A_139 = arith.constant dense<0.000000e+00> : vector<8x64xf32>
    %reduce_sum3A_140 = vector.multi_reduction <add>, %mul3A_138, %reduce_sum3A_139 [2] : vector<8x64x1024xf32> to vector<8x64xf32>
    %slice3A_141 = vector.extract_strided_slice %get3A_10 {offsets = [3584, 0], sizes = [512, 64], strides = [1, 1]} : vector<4096x64xf32> to vector<512x64xf32>
    %dot_general3A_142 = arith.constant dense<0.000000e+00> : vector<512x1024xf32>
    %dot_general3A_143 = tpu.matmul %slice3A_141, %get3A_37, %dot_general3A_142 {dimension_numbers = #tpu.dot_dimension_numbers<[1], [0], [0], [1], [0, 0, 1, 1], [], []>, transpose_lhs_hint = false} : vector<512x64xf32>, vector<64x1024xf32>, vector<512x1024xf32> -> vector<512x1024xf32>
    %reshape3A_144 = vector.shape_cast %dot_general3A_143 : vector<512x1024xf32> to vector<8x64x1024xf32>
    %slice3A_145 = vector.extract_strided_slice %add3A_34 {offsets = [56, 0], sizes = [8, 1024], strides = [1, 1]} : vector<64x1024xf32> to vector<8x1024xf32>
    %broadcast_in_dim3A_146 = vector.shape_cast %slice3A_145 : vector<8x1024xf32> to vector<8x1x1024xf32>
    %add3A_147 = vector.broadcast %broadcast_in_dim3A_146 : vector<8x1x1024xf32> to vector<8x64x1024xf32>
    %add3A_148 = arith.addf %reshape3A_144, %add3A_147 : vector<8x64x1024xf32>
    %max3A_149 = arith.constant 0.000000e+00 : f32
    %max3A_150 = vector.broadcast %max3A_149 : f32 to vector<8x64x1024xf32>
    %max3A_151 = arith.maximumf %add3A_148, %max3A_150 : vector<8x64x1024xf32>
    %mul3A_152 = vector.broadcast %reshape3A : vector<1x1x1024xf32> to vector<8x64x1024xf32>
    %mul3A_153 = arith.mulf %max3A_151, %mul3A_152 : vector<8x64x1024xf32>
    %reduce_sum3A_154 = arith.constant dense<0.000000e+00> : vector<8x64xf32>
    %reduce_sum3A_155 = vector.multi_reduction <add>, %mul3A_153, %reduce_sum3A_154 [2] : vector<8x64x1024xf32> to vector<8x64xf32>
    %concatenate3A_156 = tpu.concatenate %reduce_sum3A_50, %reduce_sum3A_65, %reduce_sum3A_80, %reduce_sum3A_95, %reduce_sum3A_110, %reduce_sum3A_125, %reduce_sum3A_140, %reduce_sum3A_155 in 0 : vector<8x64xf32>, vector<8x64xf32>, vector<8x64xf32>, vector<8x64xf32>, vector<8x64xf32>, vector<8x64xf32>, vector<8x64xf32>, vector<8x64xf32> -> vector<64x64xf32>
    %reduce_max3A = arith.constant dense<0xFF800000> : vector<64xf32>
    %reduce_max3A_157 = vector.multi_reduction <maximumf>, %concatenate3A_156, %reduce_max3A [1] : vector<64x64xf32> to vector<64xf32>
    %broadcast_in_dim3A_158 = vector.shape_cast %reduce_max3A_157 : vector<64xf32> to vector<64x1xf32>
    %sub3A = vector.broadcast %broadcast_in_dim3A_158 : vector<64x1xf32> to vector<64x64xf32>
    %sub3A_159 = arith.subf %concatenate3A_156, %sub3A : vector<64x64xf32>
    %exp3A = math.exp %sub3A_159 : vector<64x64xf32>
    %reduce_sum3A_160 = arith.constant dense<0.000000e+00> : vector<64xf32>
    %reduce_sum3A_161 = vector.multi_reduction <add>, %exp3A, %reduce_sum3A_160 [1] : vector<64x64xf32> to vector<64xf32>
    %broadcast_in_dim3A_162 = vector.shape_cast %reduce_sum3A_161 : vector<64xf32> to vector<64x1xf32>
    %div3A = vector.broadcast %broadcast_in_dim3A_162 : vector<64x1xf32> to vector<64x64xf32>
    %div3A_163 = arith.divf %exp3A, %div3A : vector<64x64xf32>
    %reshape3A_164 = vector.shape_cast %get3A_10 : vector<4096x64xf32> to vector<64x64x64xf32>
    %broadcast_in_dim3A_165 = vector.shape_cast %div3A_163 : vector<64x64xf32> to vector<64x64x1xf32>
    %mul3A_166 = vector.broadcast %broadcast_in_dim3A_165 : vector<64x64x1xf32> to vector<64x64x64xf32>
    %mul3A_167 = arith.mulf %reshape3A_164, %mul3A_166 : vector<64x64x64xf32>
    %reduce_sum3A_168 = arith.constant dense<0.000000e+00> : vector<64x64xf32>
    %reduce_sum3A_169 = vector.multi_reduction <add>, %mul3A_167, %reduce_sum3A_168 [1] : vector<64x64x64xf32> to vector<64x64xf32>
    %concatenate3A_170 = tpu.concatenate %reduce_sum3A_169, %get3A_1 in 1 : vector<64x64xf32>, vector<64x64xf32> -> vector<64x128xf32>
    %get3A_171 = arith.constant 0 : index
    %get3A_172 = arith.constant 0 : index
    %get3A_173 = vector.load %arg10[%get3A_171, %get3A_172] : memref<128x1024xf32, #tpu.memory_space<vmem>>, vector<128x1024xf32>
    %dot_general3A_174 = arith.constant dense<0.000000e+00> : vector<64x1024xf32>
    %dot_general3A_175 = tpu.matmul %concatenate3A_170, %get3A_173, %dot_general3A_174 {dimension_numbers = #tpu.dot_dimension_numbers<[1], [0], [0], [1], [0, 0, 1, 1], [], []>, transpose_lhs_hint = false} : vector<64x128xf32>, vector<128x1024xf32>, vector<64x1024xf32> -> vector<64x1024xf32>
    %get3A_176 = arith.constant 0 : index
    %get3A_177 = arith.constant 0 : index
    %get3A_178 = vector.load %arg14[%get3A_176, %get3A_177] : memref<1x1024xf32, #tpu.memory_space<vmem>>, vector<1x1024xf32>
    %add3A_179 = vector.broadcast %get3A_178 : vector<1x1024xf32> to vector<64x1024xf32>
    %add3A_180 = arith.addf %dot_general3A_175, %add3A_179 : vector<64x1024xf32>
    %get3A_181 = arith.constant 0 : index
    %get3A_182 = arith.constant 0 : index
    %get3A_183 = vector.load %arg11[%get3A_181, %get3A_182] : memref<1024x1024xf32, #tpu.memory_space<vmem>>, vector<1024x1024xf32>
    %dot_general3A_184 = arith.constant dense<0.000000e+00> : vector<64x1024xf32>
    %dot_general3A_185 = tpu.matmul %add3A_180, %get3A_183, %dot_general3A_184 {dimension_numbers = #tpu.dot_dimension_numbers<[1], [0], [0], [1], [0, 0, 1, 1], [], []>, transpose_lhs_hint = false} : vector<64x1024xf32>, vector<1024x1024xf32>, vector<64x1024xf32> -> vector<64x1024xf32>
    %get3A_186 = arith.constant 0 : index
    %get3A_187 = arith.constant 0 : index
    %get3A_188 = vector.load %arg15[%get3A_186, %get3A_187] : memref<1x1024xf32, #tpu.memory_space<vmem>>, vector<1x1024xf32>
    %add3A_189 = vector.broadcast %get3A_188 : vector<1x1024xf32> to vector<64x1024xf32>
    %add3A_190 = arith.addf %dot_general3A_185, %add3A_189 : vector<64x1024xf32>
    %swap3A = arith.constant 0 : index
    %swap3A_191 = arith.constant 0 : index
    %swap3A_192 = vector.load %arg16[%swap3A, %swap3A_191] : memref<64x1024xf32, #tpu.memory_space<vmem>>, vector<64x1024xf32>
    tpu.vector_store %arg16[%swap3A, %swap3A_191], %add3A_190 {strides = array<i32>} : memref<64x1024xf32, #tpu.memory_space<vmem>>, vector<64x1024xf32>,
    return
  }
  func.func @transform_0(%arg0: i32) -> (i32, i32) {
    %c0_i32 = arith.constant 0 : i32
    %c0_i32_0 = arith.constant 0 : i32
    return %arg0, %c0_i32 : i32, i32
  }
  func.func @transform_1(%arg0: i32) -> (i32, i32) {
    %c0_i32 = arith.constant 0 : i32
    %c0_i32_0 = arith.constant 0 : i32
    return %arg0, %c0_i32 : i32, i32
  }
  func.func @transform_2(%arg0: i32) -> (i32, i32) {
    %c0_i32 = arith.constant 0 : i32
    %c0_i32_0 = arith.constant 0 : i32
    return %arg0, %c0_i32 : i32, i32
  }
  func.func @transform_3(%arg0: i32) -> (i32, i32) {
    %c0_i32 = arith.constant 0 : i32
    %c0_i32_0 = arith.constant 0 : i32
    return %arg0, %c0_i32 : i32, i32
  }
  func.func @transform_4(%arg0: i32) -> (i32, i32) {
    %c0_i32 = arith.constant 0 : i32
    %c0_i32_0 = arith.constant 0 : i32
    %c0_i32_1 = arith.constant 0 : i32
    return %c0_i32, %c0_i32_0 : i32, i32
  }
  func.func @transform_5(%arg0: i32) -> (i32, i32) {
    %c0_i32 = arith.constant 0 : i32
    %c0_i32_0 = arith.constant 0 : i32
    %c0_i32_1 = arith.constant 0 : i32
    return %c0_i32, %c0_i32_0 : i32, i32
  }
  func.func @transform_6(%arg0: i32) -> (i32, i32) {
    %c0_i32 = arith.constant 0 : i32
    %c0_i32_0 = arith.constant 0 : i32
    %c0_i32_1 = arith.constant 0 : i32
    return %c0_i32, %c0_i32_0 : i32, i32
  }
  func.func @transform_7(%arg0: i32) -> (i32, i32) {
    %c0_i32 = arith.constant 0 : i32
    %c0_i32_0 = arith.constant 0 : i32
    %c0_i32_1 = arith.constant 0 : i32
    return %c0_i32, %c0_i32_0 : i32, i32
  }
  func.func @transform_8(%arg0: i32) -> (i32, i32) {
    %c0_i32 = arith.constant 0 : i32
    %c0_i32_0 = arith.constant 0 : i32
    %c0_i32_1 = arith.constant 0 : i32
    return %c0_i32, %c0_i32_0 : i32, i32
  }
  func.func @transform_9(%arg0: i32) -> (i32, i32) {
    %c0_i32 = arith.constant 0 : i32
    %c0_i32_0 = arith.constant 0 : i32
    %c0_i32_1 = arith.constant 0 : i32
    return %c0_i32, %c0_i32_0 : i32, i32
  }
  func.func @transform_10(%arg0: i32) -> (i32, i32) {
    %c0_i32 = arith.constant 0 : i32
    %c0_i32_0 = arith.constant 0 : i32
    %c0_i32_1 = arith.constant 0 : i32
    return %c0_i32, %c0_i32_0 : i32, i32
  }
  func.func @transform_11(%arg0: i32) -> (i32, i32) {
    %c0_i32 = arith.constant 0 : i32
    %c0_i32_0 = arith.constant 0 : i32
    %c0_i32_1 = arith.constant 0 : i32
    return %c0_i32, %c0_i32_0 : i32, i32
  }
  func.func @transform_12(%arg0: i32) -> (i32, i32) {
    %c0_i32 = arith.constant 0 : i32
    %c0_i32_0 = arith.constant 0 : i32
    %c0_i32_1 = arith.constant 0 : i32
    return %c0_i32, %c0_i32_0 : i32, i32
  }
  func.func @transform_13(%arg0: i32) -> (i32, i32) {
    %c0_i32 = arith.constant 0 : i32
    %c0_i32_0 = arith.constant 0 : i32
    %c0_i32_1 = arith.constant 0 : i32
    return %c0_i32, %c0_i32_0 : i32, i32
  }
  func.func @transform_14(%arg0: i32) -> (i32, i32) {
    %c0_i32 = arith.constant 0 : i32
    %c0_i32_0 = arith.constant 0 : i32
    %c0_i32_1 = arith.constant 0 : i32
    return %c0_i32, %c0_i32_0 : i32, i32
  }
  func.func @transform_15(%arg0: i32) -> (i32, i32) {
    %c0_i32 = arith.constant 0 : i32
    %c0_i32_0 = arith.constant 0 : i32
    return %arg0, %c0_i32 : i32, i32
  }
}

module attributes {stable_mosaic.version = 14 : i64} {
  func.func @_bn_kernel(%arg0: i32, %arg1: memref<4096x256xf32, #tpu.memory_space<vmem>>, %arg2: memref<1x256xf32, #tpu.memory_space<vmem>>, %arg3: memref<1x256xf32, #tpu.memory_space<vmem>>, %arg4: memref<4096x256xf32, #tpu.memory_space<vmem>>) attributes {dimension_semantics = [#tpu.dimension_semantics<arbitrary>], iteration_bounds = array<i64: 4>, scalar_prefetch = 0 : i64, scratch_operands = 0 : i64, tpu.core_type = #tpu.core_type<tc>, window_params = [{transform_indices = @transform_0, window_bounds = array<i64: 4096, 256>}, {transform_indices = @transform_1, window_bounds = array<i64: 1, 256>}, {transform_indices = @transform_2, window_bounds = array<i64: 1, 256>}, {transform_indices = @transform_3, window_bounds = array<i64: 4096, 256>}]} {
    %get3A = arith.constant 0 : index
    %get3A_0 = arith.constant 0 : index
    %get3A_1 = vector.load %arg1[%get3A, %get3A_0] : memref<4096x256xf32, #tpu.memory_space<vmem>>, vector<4096x256xf32>
    %reduce_sum3A = arith.constant dense<0.000000e+00> : vector<256xf32>
    %reduce_sum3A_2 = vector.multi_reduction <add>, %get3A_1, %reduce_sum3A [0] : vector<4096x256xf32> to vector<256xf32>
    %broadcast_in_dim3A = vector.shape_cast %reduce_sum3A_2 : vector<256xf32> to vector<1x256xf32>
    %div3A = arith.constant 4.096000e+03 : f32
    %div3A_3 = vector.broadcast %div3A : f32 to vector<1x256xf32>
    %div3A_4 = arith.divf %broadcast_in_dim3A, %div3A_3 : vector<1x256xf32>
    %sub3A = vector.broadcast %div3A_4 : vector<1x256xf32> to vector<4096x256xf32>
    %sub3A_5 = arith.subf %get3A_1, %sub3A : vector<4096x256xf32>
    %integer_pow3A = arith.mulf %sub3A_5, %sub3A_5 : vector<4096x256xf32>
    %reduce_sum3A_6 = arith.constant dense<0.000000e+00> : vector<256xf32>
    %reduce_sum3A_7 = vector.multi_reduction <add>, %integer_pow3A, %reduce_sum3A_6 [0] : vector<4096x256xf32> to vector<256xf32>
    %broadcast_in_dim3A_8 = vector.shape_cast %reduce_sum3A_7 : vector<256xf32> to vector<1x256xf32>
    %div3A_9 = arith.constant 4.096000e+03 : f32
    %div3A_10 = vector.broadcast %div3A_9 : f32 to vector<1x256xf32>
    %div3A_11 = arith.divf %broadcast_in_dim3A_8, %div3A_10 : vector<1x256xf32>
    %sub3A_12 = vector.broadcast %div3A_4 : vector<1x256xf32> to vector<4096x256xf32>
    %sub3A_13 = arith.subf %get3A_1, %sub3A_12 : vector<4096x256xf32>
    %add3A = arith.constant 9.99999974E-6 : f32
    %add3A_14 = vector.broadcast %add3A : f32 to vector<1x256xf32>
    %add3A_15 = arith.addf %div3A_11, %add3A_14 : vector<1x256xf32>
    %sqrt3A = math.sqrt %add3A_15 : vector<1x256xf32>
    %div3A_16 = vector.broadcast %sqrt3A : vector<1x256xf32> to vector<4096x256xf32>
    %div3A_17 = arith.divf %sub3A_13, %div3A_16 : vector<4096x256xf32>
    %get3A_18 = arith.constant 0 : index
    %get3A_19 = arith.constant 0 : index
    %get3A_20 = vector.load %arg2[%get3A_18, %get3A_19] : memref<1x256xf32, #tpu.memory_space<vmem>>, vector<1x256xf32>
    %mul3A = vector.broadcast %get3A_20 : vector<1x256xf32> to vector<4096x256xf32>
    %mul3A_21 = arith.mulf %div3A_17, %mul3A : vector<4096x256xf32>
    %get3A_22 = arith.constant 0 : index
    %get3A_23 = arith.constant 0 : index
    %get3A_24 = vector.load %arg3[%get3A_22, %get3A_23] : memref<1x256xf32, #tpu.memory_space<vmem>>, vector<1x256xf32>
    %add3A_25 = vector.broadcast %get3A_24 : vector<1x256xf32> to vector<4096x256xf32>
    %add3A_26 = arith.addf %mul3A_21, %add3A_25 : vector<4096x256xf32>
    %max3A = arith.constant 0.000000e+00 : f32
    %max3A_27 = vector.broadcast %max3A : f32 to vector<4096x256xf32>
    %max3A_28 = arith.maximumf %add3A_26, %max3A_27 : vector<4096x256xf32>
    %swap3A = arith.constant 0 : index
    %swap3A_29 = arith.constant 0 : index
    %swap3A_30 = vector.load %arg4[%swap3A, %swap3A_29] : memref<4096x256xf32, #tpu.memory_space<vmem>>, vector<4096x256xf32>
    tpu.vector_store %arg4[%swap3A, %swap3A_29], %max3A_28 {strides = array<i32>} : memref<4096x256xf32, #tpu.memory_space<vmem>>, vector<4096x256xf32>,
    return
  }
  func.func @transform_0(%arg0: i32) -> (i32, i32) {
    %c0_i32 = arith.constant 0 : i32
    %c0_i32_0 = arith.constant 0 : i32
    return %c0_i32, %arg0 : i32, i32
  }
  func.func @transform_1(%arg0: i32) -> (i32, i32) {
    %c0_i32 = arith.constant 0 : i32
    %c0_i32_0 = arith.constant 0 : i32
    return %c0_i32, %arg0 : i32, i32
  }
  func.func @transform_2(%arg0: i32) -> (i32, i32) {
    %c0_i32 = arith.constant 0 : i32
    %c0_i32_0 = arith.constant 0 : i32
    return %c0_i32, %arg0 : i32, i32
  }
  func.func @transform_3(%arg0: i32) -> (i32, i32) {
    %c0_i32 = arith.constant 0 : i32
    %c0_i32_0 = arith.constant 0 : i32
    return %c0_i32, %arg0 : i32, i32
  }
}

</mosaic_0001>

<sc_bundles>
// kernel: kernel.5.cloned.1.call-start
scs
__scs_entry_jumppad:
0x0: {  	(pc) =	sbr.rel $0x88, $3  }
0x1: {  	(tag) =	ssettag $0x0;
	lr =	simm.s32 $0x1  }
0x2: {  	[smem:$0x3F8F] =	sst lr;
	_ =	strace $0xD0000000  }
0x3: {  	_ = 	snop  }
0x4: {  	_ = 	snop  }
0x5: {  	_ = 	snop  }
0x6: {  	_ = 	snop  }
0x7: {  	_ = 	snop  }
__scs_overlays_trampoline_lowered:
0x8: {  	[smem:$0x3F9E] =	sst s0  }
0x9: {  	[smem:$0x3F9F] =	sst s1  }
0xa: {  	[smem:$0x3FA0] =	sst s2  }
0xb: {  	[smem:$0x3FA1] =	sst s3  }
0xc: {  	[smem:$0x3FA2] =	sst s4  }
0xd: {  	[smem:$0x3FA3] =	sst s5  }
0xe: {  	[smem:$0x3FA4] =	sst s6  }
0xf: {  	[smem:$0x3FA5] =	sst s7  }
0x10: {  	[smem:$0x3FA6] =	sst s8  }
0x11: {  	[smem:$0x3FA7] =	sst s9;
	s0 =	simm.s32 @!p0 $0x0  }
0x12: {  	s1 =	sld [smem:$0x3F8D];
	s0 =	simm.s32 @p0 $0x1  }
0x13: {  	[smem:$0x3FA8] =	sst s0;
	s0 =	simm.s32 @!p1 $0x0  }
0x14: {  	s2 =	sld [smem:$0x3F8C];
	s0 =	simm.s32 @p1 $0x1  }
0x15: {  	[smem:$0x3FA9] =	sst s0;
	s0 =	simm.s32 @!p2 $0x0  }
0x16: {  	s3 =	sld [smem:$0x3FDB];
	s0 =	simm.s32 @p2 $0x1  }
0x17: {  	s4 =	simm.s32 $0x1BF5;
	[smem:$0x3FAB] =	sst s0  }
0x18: {  	s0 =	sld [smem:$0x3F8E];
	_ =	swait.ge [sflag:s4], $0x0  }
0x19: {  	s7 =	sld [smem:$0x3F8F]  }
0x1a: {  	s8 =	sadd.s32 $0xFFFFE003, lr  }
0x1b: {  	s9 =	sadd.s32 $0xFFFFFEF7, lr;
	s5 =	simm.s32 $0xFFFFFFFF;
	p2 =	slt.u32 s8, $0xFFFFF086  }
0x1c: {  	p1 =	slt.u32 s9, $0xF7A;
	s5 =	simm.s32 @!p2 $0x0  }
0x1d: {  	s5 =	simm.s32 @p1 $0x1;
	p0 =	seq.s32 s7, s2  }
0x1e: {  	s7 =	smul.u32 @!p0 $0xF7A, s2;
	p2 =	seq.s32 @!p0 s5, $0x0  }
0x1f: {  	s9 =	smul.u32 $0xF7A, s1;
	s8 =	simm.s32 @!p0 $0x1BF5;
	p2 =	por !p2, p0  }
0x20: {  	[sflag:s8] =	ssyncset.s32 @!p0 $0xFFFFF086;
	s6 =	sadd.s32 @!p0 s3, s7;
	s7 =	simm.s32 @!p0 $0x108  }
0x21: {  	s3 =	sadd.s32 s3, s9;
	s6 =	sadd.s32 @!p0 $0x88, s6;
	s7 =	simm.s32 @p2 $0x1082  }
0x22: {  	[simem:s7], [sflag:s8] =	dma.local @!p0 [hbm:s6], $0xF7A  }
0x23: {  	s9 =	sor.u32 $0xD0000000, s2;
	s6 =	simm.s32 $0x108;
	_ =	swait.ge @!p0 [sflag:s8], $0x0  }
0x24: {  	s3 =	sadd.s32 $0x88, s3;
	s6 =	simm.s32 @!p1 $0x1082;
	[sflag:s4] =	ssyncset.s32 $0xFFFFF086  }
0x25: {  	[simem:s6], [sflag:s4] =	dma.local [hbm:s3], $0xF7A  }
0x26: {  	[smem:$0x3F8F] =	sst s1;
	(tag) =	ssettag s2;
	_ =	strace s9  }
0x27: {  	s1 =	sld [smem:$0x3F9F]  }
0x28: {  	s2 =	sld [smem:$0x3FA0]  }
0x29: {  	s4 =	sld [smem:$0x3FA2]  }
0x2a: {  	p0 =	seq.s32 s5, $0x0;
	s5 =	sld [smem:$0x3FA3]  }
0x2b: {  	s6 =	sld [smem:$0x3FA4]  }
0x2c: {  	s7 =	sld [smem:$0x3FA5]  }
0x2d: {  	s3 =	simm.s32 $0x108;
	s8 =	sld [smem:$0x3FA6]  }
0x2e: {  	s3 =	simm.s32 @!p0 $0x1082;
	s9 =	sld [smem:$0x3FA7]  }
0x2f: {  	lr =	sadd.s32 s0, s3;
	s0 =	sld [smem:$0x3F9E]  }
0x30: {  	s3 =	sld [smem:$0x3FA1]  }
0x31: {  	[smem:$0x3FAA] =	sst s10  }
0x32: {  	s10 =	sld [smem:$0x3FA8];
	_ =	sdelay $0x3  }
0x33: {  	p0 =	seq.s32 s10, $0x1;
	s10 =	sld [smem:$0x3FAA];
	_ =	sdelay $0x3  }
0x34: {  	[smem:$0x3FAA] =	sst s10  }
0x35: {  	s10 =	sld [smem:$0x3FA9];
	_ =	sdelay $0x3  }
0x36: {  	p1 =	seq.s32 s10, $0x1;
	s10 =	sld [smem:$0x3FAA];
	_ =	sdelay $0x3  }
0x37: {  	[smem:$0x3FAA] =	sst s10  }
0x38: {  	s10 =	sld [smem:$0x3FAB]  }
0x39: {  	_ = 	snop;
	(pc) =	sbr.ind lr, $3  }
0x3a: {  	_ = 	snop  }
0x3b: {  	_ = 	snop  }
0x3c: {  	p2 =	seq.s32 s10, $0x1;
	s10 =	sld [smem:$0x3FAA]  }
0x3d: {  	_ =	shalt  }
0x3e: {  	_ =	shalt  }
0x3f: {  	_ =	shalt  }
0x40: {  	_ =	shalt  }
0x41: {  	_ =	shalt  }
0x42: {  	_ =	shalt  }
0x43: {  	_ =	shalt  }
0x44: {  	_ =	shalt  }
0x45: {  	_ =	shalt  }
0x46: {  	_ =	shalt  }
0x47: {  	_ =	shalt  }
0x48: {  	_ =	shalt  }
0x49: {  	_ =	shalt  }
0x4a: {  	_ =	shalt  }
0x4b: {  	_ =	shalt  }
0x4c: {  	_ =	shalt  }
0x4d: {  	_ =	shalt  }
0x4e: {  	_ =	shalt  }
0x4f: {  	_ =	shalt  }
0x50: {  	_ =	shalt  }
0x51: {  	_ =	shalt  }
0x52: {  	_ =	shalt  }
0x53: {  	_ =	shalt  }
0x54: {  	_ =	shalt  }
0x55: {  	_ =	shalt  }
0x56: {  	_ =	shalt  }
0x57: {  	_ =	shalt  }
0x58: {  	_ =	shalt  }
0x59: {  	_ =	shalt  }
0x5a: {  	_ =	shalt  }
0x5b: {  	_ =	shalt  }
0x5c: {  	_ =	shalt  }
0x5d: {  	_ =	shalt  }
0x5e: {  	_ =	shalt  }
0x5f: {  	_ =	shalt  }
0x60: {  	_ =	shalt  }
0x61: {  	_ =	shalt  }
0x62: {  	_ =	shalt  }
0x63: {  	_ =	shalt  }
0x64: {  	_ =	shalt  }
0x65: {  	_ =	shalt  }
0x66: {  	_ =	shalt  }
0x67: {  	_ =	shalt  }
0x68: {  	_ =	shalt  }
0x69: {  	_ =	shalt  }
0x6a: {  	_ =	shalt  }
0x6b: {  	_ =	shalt  }
0x6c: {  	_ =	shalt  }
0x6d: {  	_ =	shalt  }
0x6e: {  	_ =	shalt  }
0x6f: {  	_ =	shalt  }
0x70: {  	_ =	shalt  }
0x71: {  	_ =	shalt  }
0x72: {  	_ =	shalt  }
0x73: {  	_ =	shalt  }
0x74: {  	_ =	shalt  }
0x75: {  	_ =	shalt  }
0x76: {  	_ =	shalt  }
0x77: {  	_ =	shalt  }
0x78: {  	_ =	shalt  }
0x79: {  	_ =	shalt  }
0x7a: {  	_ =	shalt  }
0x7b: {  	_ =	shalt  }
0x7c: {  	_ =	shalt  }
0x7d: {  	_ =	shalt  }
0x7e: {  	_ =	shalt  }
0x7f: {  	_ =	shalt  }
0x80: {  	_ =	shalt  }
0x81: {  	_ =	shalt  }
0x82: {  	_ =	shalt  }
0x83: {  	_ =	shalt  }
0x84: {  	_ =	shalt  }
0x85: {  	_ =	shalt  }
0x86: {  	_ =	shalt  }
0x87: {  	_ =	shalt  }
.Lfunc_end0:
.L_simem_size_0:
called_computation_lowered:
.L_overlay_start_0:
0x88: {  	s2 =	sld [smem:$0x3FD9]  }
0x89: {  	s3 =	sld [smem:$0x3FFE];
	_ =	sdelay $0x1  }
0x8a: {  	s1 =	srdreg.scid  }
0x8b: {  	s0 =	sand.u32 $0x1, s1  }
0x8c: {  	s17 =	sshll.u32 s0, $0xA;
	s2 =	sadd.s32 s3, s2  }
0x8d: {  	s2 =	sadd.s32 s2, s17  }
0x8e: {  	[smem:$0x3FB6] =	sst s2  }
0x8f: {  	_ = 	snop  }
0x90: {  	s2 =	sld [smem:$0x3FD0];
	(tm) =	ssettm $0x1  }
0x91: {  	s18 =	sld [smem:$0x3FFB];
	_ =	sdelay $0x3  }
0x92: {  	_ =	strace s18  }
0x93: {  	s3 =	sld [smem:$0x3FFC];
	_ =	sdelay $0x3  }
0x94: {  	_ =	strace s3  }
0x95: {  	s3 =	sld [smem:$0x3FFD];
	_ =	sdelay $0x3  }
0x96: {  	_ =	strace s3  }
0x97: {  	_ =	strace $0x8FFFFFFF  }
0x98: {  	s19 =	sld [smem:$0x3FDB];
	_ =	sdelay $0x1  }
0x99: {  	s4 =	simm.s32 $_scs_section_size  }
0x9a: {  	s5 =	simm.s32 $_size__tile_overlayer_lowered;
	s6 =	simm.s32 $_tile_overlayer_lowered  }
0x9b: {  	s22 =	simm.s32 $0x1BFF;
	s21 =	sshll.u32 s6, $0x1;
	s3 =	sadd.s32 s4, s19  }
0x9c: {  	s7 =	simm.s32 $0x0;
	s20 =	sshll.u32 s5, $0x1;
	s5 =	sadd.s32 s21, s3  }
0x9d: {  	[timem:s7], [sflag:s22] =	dma.local [hbm:s5], s20  }
0x9e: {  	_ =	swait.ge [sflag:s22], s20  }
0x9f: {  	s4 =	ssub.s32 $0x0, s20;
	[sflag:s22] =	ssyncset.done $0x0  }
0xa0: {  	[sflag:s22] =	ssyncadd.s32 s4;
	_ =	sdelay $0x1  }
0xa1: {  	s23 =	simm.s32 $0x1B8B  }
0xa2: {  	_ =	swait.ge [sflag:s23], $0x1  }
0xa3: {  	[sflag:s23] =	ssyncset.done $0x0  }
0xa4: {  	s25 =	simm.s32 $0x1B8E;
	s24 =	sld [smem:$0x3FFE];
	[sflag:s23] =	ssyncadd.s32 $0xFFFFFFFF  }
0xa5: {  	s26 =	simm.s32 $execute0_lowered;
	[smem:$0x3FD2] =	sst s25  }
0xa6: {  	s5 =	sshll.u32 s26, $0x1;
	_ =	strace $0x80000046;
	[dreg:$0x1] =	wrdreg $0xFFFFFFFF  }
0xa7: {  	s28 =	simm.s32 $_size_execute0_lowered;
	s3 =	sadd.s32 s3, s5;
	[dreg:$0x0] =	wrdreg $0x0  }
0xa8: {  	s5 =	sshll.u32 s28, $0x1;
	[dreg:$0x2] =	wrdreg s3  }
0xa9: {  	[dreg:$0x3] =	wrdreg s5  }
0xaa: {  	[dreg:$0x4] =	wrdreg $0xC0  }
0xab: {  	_ =	task [dreg:s7], $0x5FFFF  }
0xac: {  	[dreg:$0x1] =	wrdreg $0xFFFFFFFF  }
0xad: {  	[dreg:$0x0] =	wrdreg $0x60  }
0xae: {  	[dreg:$0x2] =	wrdreg s2  }
0xaf: {  	[dreg:$0x3] =	wrdreg s24  }
0xb0: {  	[dreg:$0x4] =	wrdreg $0x9  }
0xb1: {  	_ =	task.clear_ibuf [dreg:s7], $0x5FFFF;
	_ =	strace $0x90000046  }
0xb2: {  	s29 =	simm.s32 $0x9;
	_ =	strace $0x80000048  }
0xb3: {  	_ =	swait.ge [sflag:s29], $0x1  }
0xb4: {  	[sflag:s29] =	ssyncadd.s32 $0xFFFFFFFF  }
0xb5: {  	_ =	strace $0x90000048  }
0xb6: {  	_ =	sfence  }
0xb7: {  	s30 =	sld [smem:$0x0];
	_ =	sdelay $0x2  }
0xb8: {  	s31 =	sshll.u32 s1, $0xD;
	s1 =	sshrl.u32 s1, $0x2  }
0xb9: {  	s3 =	sand.u32 $0x4000, s31;
	s1 =	sadd.s32 s1, s30  }
0xba: {  	s0 =	sor.u32 s3, s0;
	s1 =	sshll.u32 s1, $0x11  }
0xbb: {  	s0 =	sor.u32 s1, s0  }
0xbc: {  	s0 =	sadd.s32 $0x8F2B, s0  }
0xbd: {  	[sflag:s0] =	ssyncadd.remote.s32 $0x1  }
0xbe: {  	_ =	sfence.sel $0xFFFF  }
0xbf: {  	[dreg:$0x0] =	wrdreg $0xFFFFFFFF;
	(pc) =	sbr.abs _section_cstart, $3  }
0xc0: {  	[dreg:$0x1] =	wrdreg $0xFFFFFFFF  }
0xc1: {  	_ =	task.clear_ibuf [dreg:s7], $0x2FFFF;
	_ =	strace $0x9FFFFFFF  }
0xc2: {  	(tm) =	ssettm $0x7FFFFFFF  }
0xc3: {  	_ =	shalt  }
tec
execute0_lowered:
.L_overlay_start_1:
0x0: {  	(tag) =	ssettag $0x1  }
0x1: {  	s1 =	rddreg [dreg:$0x0]  }
0x2: {  	s5 =	rddreg [dreg:$0x1]  }
0x3: {  	s0 =	rddreg [dreg:$0x2];
	s2 =	simm.s32 $0x0  }
0x4: {  	s6 =	srdreg.scid;
	s12 =	simm.s32 $0x1000;
	s13 =	simm.s32 $0x1080  }
0x5: {  	s14 =	simm.s32 $0x1100;
	s15 =	simm.s32 $0x1500;
	s16 =	simm.s32 $0x1900  }
0x6: {  	s17 =	simm.s32 $0x0;
	[smem:$0x7FF] =	sst s2;
	s3 =	sadd.s32 $0x3200, s5  }
0x7: {  	s4 =	sadd.s32 $0x3000, s5;
	s9 =	sand.u32 $0x1, s6;
	s6 =	sadd.s32 $0x3400, s5  }
0x8: {  	s7 =	sadd.s32 $0x5400, s5;
	s8 =	sadd.s32 $0x7400, s5;
	s10 =	ssub.s32 $0x2, s9  }
0x9: {  	v0 =	vimm.f32 $1.000000000e+00;
	s5 =	stileid.u32;
	_ =	strace $0x80000047;
	s11 =	sshrl.u32 s10, $0x1  }
0xa: {  	v1 =	vimm.f32 $0.0e+00;
	v3 =	vlaneseq.u32;
	v2 =	vand.u32 $0x7FFFFFFF, v0;
	s31 =	sshll.u32 s5, $0x4;
	s9 =	sshll.u32 s9, $0x3;
	s10 =	ssub.s32 s10, s11  }
0xb: {  	v4 =	vor.u32 $0x10, v3;
	v5 =	vor.u32 $0x20, v3;
	v6 =	vor.u32 $0x30, v3;
	s9 =	sor.u32 s9, s31;
	s11 =	simm.s32 $0x1;
	s10 =	smax.u32 s10, $0x1  }
.LBB2_1:
0xc: {  	s18 =	simm.s32 $0x0;
	s19 =	simm.s32 $0x0  }
.LBB2_2:
0xd: {  	s20 =	sand.u32 $0x3, s18  }
0xe: {  	s21 =	sshll.u32 s20, $0x8  }
0xf: {  	s22 =	simm.s32 $0x0;
	s24 =	sadd.s32 $0x1500, s21  }
0x10: {  	s25 =	sadd.s32 $0x1100, s21;
	s21 =	sshll.u32 s20, $0x4;
	s20 =	simm.s32 $0x400  }
.LBB2_3:
0x11: {  	p0 =	sne.s32 s20, $0x40000;
	[tilespmem:s22+$0x19F0] =	vst v1  }
0x12: {  	[tilespmem:s22+$0x1900] =	vst v1  }
0x13: {  	[tilespmem:s22+$0x1910] =	vst v1  }
0x14: {  	[tilespmem:s22+$0x1920] =	vst v1  }
0x15: {  	[tilespmem:s22+$0x1930] =	vst v1  }
0x16: {  	[tilespmem:s22+$0x1940] =	vst v1  }
0x17: {  	[tilespmem:s22+$0x1950] =	vst v1  }
0x18: {  	[tilespmem:s22+$0x1960] =	vst v1  }
0x19: {  	[tilespmem:s22+$0x1970] =	vst v1  }
0x1a: {  	[tilespmem:s22+$0x1980] =	vst v1  }
0x1b: {  	[tilespmem:s22+$0x1990] =	vst v1  }
.Ltmp0:
0x1c: {  	[tilespmem:s22+$0x19A0] =	vst v1;
	(pc) =	sbr.rel @p0 .LBB2_3-.Ltmp0, $4  }
0x1d: {  	[tilespmem:s22+$0x19B0] =	vst v1  }
0x1e: {  	[tilespmem:s22+$0x19C0] =	vst v1  }
0x1f: {  	[tilespmem:s22+$0x19D0] =	vst v1  }
0x20: {  	[tilespmem:s22+$0x19E0] =	vst v1;
	s22 =	sshra.s32 s20, $0x2;
	s20 =	sadd.s32 $0x400, s20  }
0x21: {  	[tilespmem:s22+$0x19F0] =	vst v1  }
0x22: {  	[tilespmem:s22+$0x1900] =	vst v1  }
0x23: {  	[tilespmem:s22+$0x1910] =	vst v1  }
0x24: {  	[tilespmem:s22+$0x1920] =	vst v1  }
0x25: {  	[tilespmem:s22+$0x1930] =	vst v1  }
0x26: {  	[tilespmem:s22+$0x1940] =	vst v1  }
0x27: {  	[tilespmem:s22+$0x1950] =	vst v1  }
0x28: {  	[tilespmem:s22+$0x1960] =	vst v1;
	s20 =	sadd.s32 s9, s19;
	s23 =	sand.u32 $0x3, s19  }
0x29: {  	[tilespmem:s22+$0x1970] =	vst v1;
	p0 =	seq.s32 s20, $0x0;
	p1 =	sne.s32 s23, $0x0  }
0x2a: {  	[tilespmem:s22+$0x1980] =	vst v1;
	p0 =	por !p0, !p1  }
0x2b: {  	[tilespmem:s22+$0x1990] =	vst v1;
	s23 =	simm.s32 $0x1;
	p0 =	por !p0, !p0  }
0x2c: {  	[tilespmem:s22+$0x19A0] =	vst v1;
	s26 =	sshrl.u32 s20, $0x2;
	s23 =	simm.s32 @!p0 $0x0  }
0x2d: {  	[tilespmem:s22+$0x19B0] =	vst v1;
	s23 =	ssub.s32 s26, s23  }
0x2e: {  	[tilespmem:s22+$0x19C0] =	vst v1;
	s26 =	sshll.u32 s23, $0x9  }
0x2f: {  	[tilespmem:s22+$0x19D0] =	vst v1;
	s26 =	sand.u32 $0x1FFFFE00, s26  }
0x30: {  	[tilespmem:s22+$0x19E0] =	vst v1;
	s22 =	simm.s32 $0x0;
	s26 =	sadd.s32 s1, s26  }
0x31: {  	[tilespmem:s22], [sflag:$0x1] =	stream.linear.gather [hbm4b:s26+s22], $0x1000, $0x38;
	[tilespmem:$0x11E80] =	vst v63  }
0x32: {  	s30 =	sshll.u32 s23, $0x3;
	_ =	swait.ge [sflag:s11], $0x1000  }
0x33: {  	s26 =	sand.u32 $0x1FFFFFF8, s30;
	[sflag:s11] =	ssyncset.done $0x0  }
0x34: {  	s28 =	sadd.s32 s3, s26;
	[sflag:s11] =	ssyncadd.s32 $0xFFFFF000  }
0x35: {  	[tilespmem:s12], [sflag:$0x1] =	stream.linear.gather [hbm4b:s28+s22], $0x40, $0x38;
	[tilespmem:$0x11E80] =	vst v63  }
0x36: {  	_ =	swait.ge [sflag:s11], $0x40  }
0x37: {  	[sflag:s11] =	ssyncset.done $0x0  }
0x38: {  	s26 =	sadd.s32 s4, s26;
	[sflag:s11] =	ssyncadd.s32 $0xFFFFFFC0  }
0x39: {  	[tilespmem:s13], [sflag:$0x1] =	stream.linear.gather [hbm4b:s26+s22], $0x40, $0x38;
	[tilespmem:$0x11E80] =	vst v63  }
0x3a: {  	s23 =	sshll.u32 s23, $0x7;
	_ =	swait.ge [sflag:s11], $0x40  }
0x3b: {  	s23 =	sand.u32 $0x1FFFFF80, s23;
	[sflag:s11] =	ssyncset.done $0x0  }
0x3c: {  	s31 =	sadd.s32 s6, s23;
	[sflag:s11] =	ssyncadd.s32 $0xFFFFFFC0  }
0x3d: {  	[tilespmem:s14], [sflag:$0x1] =	stream.linear.gather [hbm4b:s31+s22], $0x400, $0x38;
	[tilespmem:$0x11E80] =	vst v63  }
0x3e: {  	_ =	swait.ge [sflag:s11], $0x400  }
0x3f: {  	[sflag:s11] =	ssyncset.done $0x0  }
0x40: {  	s23 =	sadd.s32 s7, s23;
	[sflag:s11] =	ssyncadd.s32 $0xFFFFFC00  }
0x41: {  	v7 =	vmov s25;
	[tilespmem:s15], [sflag:$0x1] =	stream.linear.gather [hbm4b:s23+s22], $0x400, $0x38;
	[tilespmem:$0x11E80] =	vst v63  }
0x42: {  	v8 =	vmov s24;
	_ =	swait.ge [sflag:s11], $0x400  }
0x43: {  	[sflag:s11] =	ssyncset.done $0x0  }
0x44: {  	s24 =	simm.s32 $0x0;
	s23 =	simm.s32 $0x11A20;
	[sflag:s11] =	ssyncadd.s32 $0xFFFFFC00  }
.LBB2_5:
0x45: {  	s25 =	sshra.s32 s24, $0x2  }
0x46: {  	v9 =	vld.idx.msk [tilespmem:v7+s25+$0x0 ss:$0x1], $0xffff  }
0x47: {  	v13 =	vld.idx.msk [tilespmem:v8+s25+$0x0 ss:$0x1], $0xffff  }
0x48: {  	v14 =	vld [tilespmem:$0x1000]  }
0x49: {  	v15 =	vld [tilespmem:$0x1080];
	_ =	sdelay $0x1  }
0x4a: {  	v12 =	vadd.f32 $1.000000000e+00, v9;
	v10 =	vadd.f32 $-1.000000000e+00, v9  }
0x4b: {  	v11 =	vadd.f32 $1.000000000e+00, v13;
	v9 =	vadd.f32 $-1.000000000e+00, v13  }
0x4c: {  	v22 =	vmov s24;
	v16 =	vsub.f32 v12, v14;
	v55 =	vsub.f32 v14, v10  }
0x4d: {  	v23 =	vadd.s32 $0xFFFFFC00, v22;
	v56 =	vsub.f32 v11, v15;
	v15 =	vsub.f32 v15, v9  }
0x4e: {  	v16 =	vmax.f32 v16, $0.0e+00;
	v18 =	vmax.f32 v55, $0.0e+00;
	v13 =	vmul.f32 $4.000000000e+00, v55  }
0x4f: {  	v19 =	vmax.f32 v56, $0.0e+00;
	v15 =	vmax.f32 v15, $0.0e+00;
	v17 =	vand.u32 $0x80000000, v16  }
0x50: {  	vm0 =	vlt.f32 v16, $0.0e+00;
	vm1 =	vgt.f32 v16, $0.0e+00;
	v57 =	vand.u32 $0x80000000, v18  }
0x51: {  	vm15 =	vlt.f32 v18, $0.0e+00;
	vm4 =	vgt.f32 v18, $0.0e+00;
	v20 =	vand.u32 $0x80000000, v19  }
0x52: {  	vm5 =	vlt.f32 v19, $0.0e+00;
	v17 =	vor.u32 v17, v2;
	vm0 =	vmor vm1, vm0  }
0x53: {  	v16 =	vsel vm0, v17, v16;
	v17 =	vor.u32 v57, v2;
	vm0 =	vmor vm4, vm15  }
0x54: {  	vm2 =	vgt.f32 v19, $0.0e+00;
	v60 =	vand.u32 $0x80000000, v15;
	v17 =	vsel vm0, v17, v18  }
0x55: {  	v58 =	vor.u32 v20, v2;
	vm6 =	vmor vm2, vm5;
	v16 =	vmul.f32 v17, v16  }
0x56: {  	vm7 =	vlt.f32 v15, $0.0e+00;
	vm8 =	vgt.f32 v15, $0.0e+00;
	v59 =	vsel vm6, v58, v19  }
0x57: {  	v61 =	vor.u32 v60, v2;
	vm0 =	vmor vm8, vm7;
	v16 =	vmul.f32 v59, v16  }
0x58: {  	v62 =	vtrunc.f32 v13;
	v13 =	vmov s21;
	v15 =	vsel vm0, v61, v15  }
0x59: {  	v14 =	vmul.f32 $4.000000000e+00, v56;
	vm9 =	veq.s32 v13, v3;
	v15 =	vmul.f32 v16, v15  }
0x5a: {  	v25 =	vbroadcast v23, $0x0;
	v21 =	vsel vm9, $0x0, v0  }
0x5b: {  	v14 =	vtrunc.f32 v14;
	v15 =	vmul.f32 v15, v21  }
0x5c: {  	v63 =	vcvt.f32.s32 v62;
	v24 =	vcvt.f32.s32 v14  }
0x5d: {  	v15 =	vtrunc.f32 v15  }
0x5e: {  	v26 =	vshll.u32 v24, $0x3;
	v16 =	vadd.s32 v63, v25;
	v15 =	vcvt.f32.s32 v15  }
0x5f: {  	v16 =	vadd.s32 v26, v16  }
0x60: {  	v15 =	vmul.u32 v15, v16;
	_ =	sdelay $0x1  }
0x61: {  	v15 =	vadd.s32 $0x400, v15  }
0x62: {  	[tilespmem:s23+$0xFFFFFFE0] =	vst v15  }
0x63: {  	v15 =	vld [tilespmem:$0x1010]  }
0x64: {  	v27 =	vld [tilespmem:$0x1090];
	_ =	sdelay $0x3  }
0x65: {  	v28 =	vsub.f32 v12, v15;
	v15 =	vsub.f32 v15, v10  }
0x66: {  	v29 =	vsub.f32 v11, v27;
	v16 =	vsub.f32 v27, v9  }
0x67: {  	v17 =	vmax.f32 v28, $0.0e+00;
	v31 =	vmax.f32 v15, $0.0e+00  }
0x68: {  	v21 =	vmax.f32 v29, $0.0e+00;
	v16 =	vmax.f32 v16, $0.0e+00;
	v30 =	vand.u32 $0x80000000, v17  }
0x69: {  	vm10 =	vlt.f32 v17, $0.0e+00;
	vm11 =	vgt.f32 v17, $0.0e+00;
	v32 =	vand.u32 $0x80000000, v31  }
0x6a: {  	vm12 =	vlt.f32 v31, $0.0e+00;
	vm13 =	vgt.f32 v31, $0.0e+00;
	v22 =	vand.u32 $0x80000000, v21  }
0x6b: {  	vm14 =	vlt.f32 v21, $0.0e+00;
	v19 =	vor.u32 v30, v2;
	vm0 =	vmor vm11, vm10  }
0x6c: {  	v17 =	vsel vm0, v19, v17;
	v19 =	vor.u32 v32, v2;
	vm0 =	vmor vm13, vm12  }
0x6d: {  	vm15 =	vgt.f32 v21, $0.0e+00;
	v35 =	vand.u32 $0x80000000, v16;
	v19 =	vsel vm0, v19, v31  }
0x6e: {  	v33 =	vor.u32 v22, v2;
	vm4 =	vmor vm15, vm14;
	v17 =	vmul.f32 v19, v17  }
0x6f: {  	vm5 =	vlt.f32 v16, $0.0e+00;
	vm6 =	vgt.f32 v16, $0.0e+00;
	v34 =	vsel vm4, v33, v21  }
0x70: {  	v36 =	vor.u32 v35, v2;
	vm0 =	vmor vm6, vm5;
	v17 =	vmul.f32 v34, v17  }
0x71: {  	v15 =	vmul.f32 $4.000000000e+00, v15;
	v16 =	vsel vm0, v36, v16  }
0x72: {  	vm7 =	veq.s32 v13, v4;
	v18 =	vmul.f32 $4.000000000e+00, v29;
	v16 =	vmul.f32 v17, v16  }
0x73: {  	v37 =	vsel vm7, $0x0, v0;
	v15 =	vtrunc.f32 v15  }
0x74: {  	v18 =	vtrunc.f32 v18;
	v16 =	vmul.f32 v16, v37  }
0x75: {  	v15 =	vcvt.f32.s32 v15;
	v38 =	vcvt.f32.s32 v18  }
0x76: {  	v16 =	vtrunc.f32 v16  }
0x77: {  	v15 =	vadd.s32 v15, v25;
	v17 =	vshll.u32 v38, $0x3;
	v16 =	vcvt.f32.s32 v16  }
0x78: {  	v15 =	vadd.s32 v17, v15  }
0x79: {  	v15 =	vmul.u32 v16, v15;
	_ =	sdelay $0x1  }
0x7a: {  	v15 =	vadd.s32 $0x400, v15  }
0x7b: {  	[tilespmem:s23+$0xFFFFFFF0] =	vst v15  }
0x7c: {  	v15 =	vld [tilespmem:$0x1020]  }
0x7d: {  	v39 =	vld [tilespmem:$0x10A0];
	_ =	sdelay $0x3  }
0x7e: {  	v40 =	vsub.f32 v12, v15;
	v15 =	vsub.f32 v15, v10  }
0x7f: {  	v41 =	vsub.f32 v11, v39;
	v16 =	vsub.f32 v39, v9  }
0x80: {  	v17 =	vmax.f32 v40, $0.0e+00;
	v43 =	vmax.f32 v15, $0.0e+00  }
0x81: {  	v45 =	vmax.f32 v41, $0.0e+00;
	v16 =	vmax.f32 v16, $0.0e+00;
	v42 =	vand.u32 $0x80000000, v17  }
0x82: {  	vm8 =	vlt.f32 v17, $0.0e+00;
	vm9 =	vgt.f32 v17, $0.0e+00;
	v44 =	vand.u32 $0x80000000, v43  }
0x83: {  	vm10 =	vlt.f32 v43, $0.0e+00;
	vm11 =	vgt.f32 v43, $0.0e+00;
	v46 =	vand.u32 $0x80000000, v45  }
0x84: {  	vm12 =	vlt.f32 v45, $0.0e+00;
	v19 =	vor.u32 v42, v2;
	vm0 =	vmor vm9, vm8  }
0x85: {  	v17 =	vsel vm0, v19, v17;
	v19 =	vor.u32 v44, v2;
	vm0 =	vmor vm11, vm10  }
0x86: {  	vm13 =	vgt.f32 v45, $0.0e+00;
	v49 =	vand.u32 $0x80000000, v16;
	v19 =	vsel vm0, v19, v43  }
0x87: {  	v47 =	vor.u32 v46, v2;
	vm14 =	vmor vm13, vm12;
	v17 =	vmul.f32 v19, v17  }
0x88: {  	vm15 =	vlt.f32 v16, $0.0e+00;
	vm4 =	vgt.f32 v16, $0.0e+00;
	v48 =	vsel vm14, v47, v45  }
0x89: {  	v50 =	vor.u32 v49, v2;
	vm0 =	vmor vm4, vm15;
	v17 =	vmul.f32 v48, v17  }
0x8a: {  	v15 =	vmul.f32 $4.000000000e+00, v15;
	v16 =	vsel vm0, v50, v16  }
0x8b: {  	vm5 =	veq.s32 v13, v5;
	v18 =	vmul.f32 $4.000000000e+00, v41;
	v16 =	vmul.f32 v17, v16  }
0x8c: {  	v51 =	vsel vm5, $0x0, v0;
	v15 =	vtrunc.f32 v15  }
0x8d: {  	v18 =	vtrunc.f32 v18;
	v16 =	vmul.f32 v16, v51  }
0x8e: {  	v15 =	vcvt.f32.s32 v15;
	v52 =	vcvt.f32.s32 v18  }
0x8f: {  	v16 =	vtrunc.f32 v16  }
0x90: {  	v15 =	vadd.s32 v15, v25;
	v17 =	vshll.u32 v52, $0x3;
	v16 =	vcvt.f32.s32 v16  }
0x91: {  	v15 =	vadd.s32 v17, v15  }
0x92: {  	v15 =	vmul.u32 v16, v15;
	_ =	sdelay $0x1  }
0x93: {  	v15 =	vadd.s32 $0x400, v15  }
0x94: {  	[tilespmem:s23+$0x0] =	vst v15  }
0x95: {  	v15 =	vld [tilespmem:$0x1030]  }
0x96: {  	v53 =	vld [tilespmem:$0x10B0];
	_ =	sdelay $0x3  }
0x97: {  	v12 =	vsub.f32 v12, v15;
	v10 =	vsub.f32 v15, v10  }
0x98: {  	v11 =	vsub.f32 v11, v53;
	v9 =	vsub.f32 v53, v9  }
0x99: {  	v12 =	vmax.f32 v12, $0.0e+00;
	v55 =	vmax.f32 v10, $0.0e+00  }
0x9a: {  	v57 =	vmax.f32 v11, $0.0e+00;
	v9 =	vmax.f32 v9, $0.0e+00;
	v54 =	vand.u32 $0x80000000, v12  }
0x9b: {  	vm6 =	vlt.f32 v12, $0.0e+00;
	vm7 =	vgt.f32 v12, $0.0e+00;
	v56 =	vand.u32 $0x80000000, v55  }
0x9c: {  	vm8 =	vlt.f32 v55, $0.0e+00;
	vm9 =	vgt.f32 v55, $0.0e+00;
	v58 =	vand.u32 $0x80000000, v57  }
0x9d: {  	vm10 =	vlt.f32 v57, $0.0e+00;
	v15 =	vor.u32 v54, v2;
	vm0 =	vmor vm7, vm6  }
0x9e: {  	v12 =	vsel vm0, v15, v12;
	v15 =	vor.u32 v56, v2;
	vm0 =	vmor vm9, vm8  }
0x9f: {  	vm11 =	vgt.f32 v57, $0.0e+00;
	v61 =	vand.u32 $0x80000000, v9;
	v15 =	vsel vm0, v15, v55  }
0xa0: {  	v59 =	vor.u32 v58, v2;
	vm12 =	vmor vm11, vm10;
	v12 =	vmul.f32 v15, v12  }
0xa1: {  	vm13 =	vlt.f32 v9, $0.0e+00;
	vm14 =	vgt.f32 v9, $0.0e+00;
	v60 =	vsel vm12, v59, v57  }
0xa2: {  	v62 =	vor.u32 v61, v2;
	vm0 =	vmor vm14, vm13;
	v12 =	vmul.f32 v60, v12  }
0xa3: {  	v10 =	vmul.f32 $4.000000000e+00, v10;
	v9 =	vsel vm0, v62, v9  }
0xa4: {  	vm15 =	veq.s32 v13, v6;
	v11 =	vmul.f32 $4.000000000e+00, v11;
	v9 =	vmul.f32 v12, v9  }
0xa5: {  	v63 =	vsel vm15, $0x0, v0;
	v10 =	vtrunc.f32 v10  }
0xa6: {  	v11 =	vtrunc.f32 v11;
	v9 =	vmul.f32 v9, v63  }
0xa7: {  	v10 =	vcvt.f32.s32 v10;
	v11 =	vcvt.f32.s32 v11  }
0xa8: {  	v9 =	vtrunc.f32 v9  }
0xa9: {  	p0 =	sne.s32 s24, $0x3C0;
	v11 =	vshll.u32 v11, $0x3;
	v10 =	vadd.s32 v10, v25;
	v9 =	vcvt.f32.s32 v9  }
.Ltmp1:
0xaa: {  	v10 =	vadd.s32 v11, v10;
	(pc) =	sbr.rel @p0 .LBB2_5-.Ltmp1, $3  }
0xab: {  	v9 =	vmul.u32 v9, v10;
	_ =	sdelay $0x1  }
0xac: {  	v9 =	vadd.s32 $0x400, v9  }
0xad: {  	s24 =	sadd.s32 $0x40, s24;
	s21 =	sadd.s32 $0x1, s21;
	[tilespmem:s23+$0x10] =	vst v9;
	s23 =	sadd.s32 $0x40, s23  }
0xae: {  	s21 =	simm.s32 $0x11A02  }
0xaf: {  	v7 =	vld [tilespmem:s21+$0xFFFFFFFE];
	_ =	sdelay $0x4  }
0xb0: {  	(v2sf) =	vpush v7, $0x0;
	_ =	sdelay $0xe  }
0xb1: {  	s23 =	spop (v2sf)  }
0xb2: {  	p0 =	seq.s32 s23, $0x400  }
0xb3: {  	s24 =	sand.u32 @!p0 $0xF00, s22  }
0xb4: {  	v7 =	vld @!p0 [tilespmem:s24+$0x0];
	_ =	sdelay $0x2  }
0xb5: {  	s23 =	sshll.u32 @!p0 s23, $0x8  }
0xb6: {  	s23 =	sshra.s32 @!p0 s23, $0x2  }
0xb7: {  	[tilespmem:s23+$0x1900] =	vst.add.f32.msk @!p0 $0xffff, v7  }
0xb8: {  	v7 =	vld @!p0 [tilespmem:s24+$0x10];
	_ =	sdelay $0x4  }
0xb9: {  	[tilespmem:s23+$0x1910] =	vst.add.f32.msk @!p0 $0xffff, v7  }
0xba: {  	v7 =	vld @!p0 [tilespmem:s24+$0x20];
	_ =	sdelay $0x4  }
0xbb: {  	[tilespmem:s23+$0x1920] =	vst.add.f32.msk @!p0 $0xffff, v7  }
0xbc: {  	v7 =	vld @!p0 [tilespmem:s24+$0x30];
	_ =	sdelay $0x4  }
0xbd: {  	[tilespmem:s23+$0x1930] =	vst.add.f32.msk @!p0 $0xffff, v7  }
0xbe: {  	v7 =	vld [tilespmem:s21+$0xFFFFFFFF];
	_ =	sdelay $0x4  }
0xbf: {  	(v2sf) =	vpush v7, $0x0;
	_ =	sdelay $0xe  }
0xc0: {  	s23 =	spop (v2sf)  }
0xc1: {  	p0 =	seq.s32 s23, $0x400  }
0xc2: {  	s24 =	simm.s32 @!p0 $0x40  }
0xc3: {  	s25 =	sand.u32 @!p0 $0xF40, s24  }
0xc4: {  	v7 =	vld @!p0 [tilespmem:s25+$0x0];
	_ =	sdelay $0x2  }
0xc5: {  	s23 =	sshll.u32 @!p0 s23, $0x8  }
0xc6: {  	s23 =	sshra.s32 @!p0 s23, $0x2  }
0xc7: {  	s24 =	sand.u32 @!p0 $0xF00, s24;
	[tilespmem:s23+$0x1900] =	vst.add.f32.msk @!p0 $0xffff, v7  }
0xc8: {  	v7 =	vld @!p0 [tilespmem:s24+$0x50];
	_ =	sdelay $0x4  }
0xc9: {  	[tilespmem:s23+$0x1910] =	vst.add.f32.msk @!p0 $0xffff, v7  }
0xca: {  	v7 =	vld @!p0 [tilespmem:s24+$0x60];
	_ =	sdelay $0x4  }
0xcb: {  	[tilespmem:s23+$0x1920] =	vst.add.f32.msk @!p0 $0xffff, v7  }
0xcc: {  	v7 =	vld @!p0 [tilespmem:s24+$0x70];
	_ =	sdelay $0x4  }
0xcd: {  	[tilespmem:s23+$0x1930] =	vst.add.f32.msk @!p0 $0xffff, v7  }
0xce: {  	v7 =	vld [tilespmem:s21+$0x0];
	_ =	sdelay $0x4  }
0xcf: {  	(v2sf) =	vpush v7, $0x0;
	_ =	sdelay $0xe  }
0xd0: {  	s23 =	spop (v2sf)  }
0xd1: {  	p0 =	seq.s32 s23, $0x400  }
0xd2: {  	s24 =	simm.s32 @!p0 $0x80  }
0xd3: {  	s24 =	sand.u32 @!p0 $0xF80, s24  }
0xd4: {  	v7 =	vld @!p0 [tilespmem:s24+$0x0];
	_ =	sdelay $0x2  }
0xd5: {  	s23 =	sshll.u32 @!p0 s23, $0x8  }
0xd6: {  	s23 =	sshra.s32 @!p0 s23, $0x2  }
0xd7: {  	[tilespmem:s23+$0x1900] =	vst.add.f32.msk @!p0 $0xffff, v7  }
0xd8: {  	v7 =	vld @!p0 [tilespmem:s24+$0x10];
	_ =	sdelay $0x4  }
0xd9: {  	[tilespmem:s23+$0x1910] =	vst.add.f32.msk @!p0 $0xffff, v7  }
0xda: {  	v7 =	vld @!p0 [tilespmem:s24+$0x20];
	_ =	sdelay $0x4  }
0xdb: {  	[tilespmem:s23+$0x1920] =	vst.add.f32.msk @!p0 $0xffff, v7  }
0xdc: {  	v7 =	vld @!p0 [tilespmem:s24+$0x30];
	_ =	sdelay $0x4  }
0xdd: {  	[tilespmem:s23+$0x1930] =	vst.add.f32.msk @!p0 $0xffff, v7  }
0xde: {  	v7 =	vld [tilespmem:s21+$0x1];
	_ =	sdelay $0x4  }
0xdf: {  	(v2sf) =	vpush v7, $0x0;
	_ =	sdelay $0xe  }
0xe0: {  	s23 =	spop (v2sf)  }
0xe1: {  	p1 =	seq.s32 s23, $0x400  }
0xe2: {  	s24 =	sand.u32 @!p1 $0xF00, s22  }
0xe3: {  	v7 =	vld @!p1 [tilespmem:s24+$0xC0];
	_ =	sdelay $0x2  }
0xe4: {  	s22 =	sshll.u32 @!p1 s23, $0x8  }
0xe5: {  	s23 =	sshra.s32 @!p1 s22, $0x2  }
0xe6: {  	[tilespmem:s23+$0x1900] =	vst.add.f32.msk @!p1 $0xffff, v7  }
0xe7: {  	v7 =	vld @!p1 [tilespmem:s24+$0xD0];
	_ =	sdelay $0x4  }
0xe8: {  	[tilespmem:s23+$0x1910] =	vst.add.f32.msk @!p1 $0xffff, v7  }
0xe9: {  	v7 =	vld @!p1 [tilespmem:s24+$0xE0];
	_ =	sdelay $0x4  }
0xea: {  	[tilespmem:s23+$0x1920] =	vst.add.f32.msk @!p1 $0xffff, v7  }
0xeb: {  	s22 =	simm.s32 $0x100;
	v7 =	vld @!p1 [tilespmem:s24+$0xF0]  }
.LBB2_7:
0xec: {  	_ =	sdelay $0x3  }
0xed: {  	s21 =	sadd.s32 $0x4, s21;
	[tilespmem:s23+$0x1930] =	vst.add.f32.msk @!p1 $0xffff, v7;
	s23 =	smov.u32 s22;
	s22 =	sadd.s32 $0x100, s22  }
0xee: {  	v7 =	vld [tilespmem:s21+$0xFFFFFFFE];
	p0 =	sne.s32 s22, $0x10000;
	_ =	sdelay $0x4  }
0xef: {  	(v2sf) =	vpush v7, $0x0;
	_ =	sdelay $0xe  }
0xf0: {  	s24 =	spop (v2sf)  }
0xf1: {  	p1 =	seq.s32 s24, $0x400  }
0xf2: {  	s25 =	sand.u32 @!p1 $0xF00, s23;
	s24 =	sshll.u32 @!p1 s24, $0x8  }
0xf3: {  	v7 =	vld @!p1 [tilespmem:s25+$0x0];
	_ =	sdelay $0x3  }
0xf4: {  	s24 =	sshra.s32 @!p1 s24, $0x2  }
0xf5: {  	[tilespmem:s24+$0x1900] =	vst.add.f32.msk @!p1 $0xffff, v7  }
0xf6: {  	v7 =	vld @!p1 [tilespmem:s25+$0x10];
	_ =	sdelay $0x4  }
0xf7: {  	[tilespmem:s24+$0x1910] =	vst.add.f32.msk @!p1 $0xffff, v7  }
0xf8: {  	v7 =	vld @!p1 [tilespmem:s25+$0x20];
	_ =	sdelay $0x4  }
0xf9: {  	[tilespmem:s24+$0x1920] =	vst.add.f32.msk @!p1 $0xffff, v7  }
0xfa: {  	v7 =	vld @!p1 [tilespmem:s25+$0x30];
	_ =	sdelay $0x4  }
0xfb: {  	[tilespmem:s24+$0x1930] =	vst.add.f32.msk @!p1 $0xffff, v7  }
0xfc: {  	v7 =	vld [tilespmem:s21+$0xFFFFFFFF];
	_ =	sdelay $0x4  }
0xfd: {  	(v2sf) =	vpush v7, $0x0;
	_ =	sdelay $0xe  }
0xfe: {  	s24 =	spop (v2sf)  }
0xff: {  	p1 =	seq.s32 s24, $0x400  }
0x100: {  	s25 =	sadd.s32 @!p1 $0x40, s23;
	s24 =	sshll.u32 @!p1 s24, $0x8  }
0x101: {  	s26 =	sand.u32 @!p1 $0xF40, s25  }
0x102: {  	v7 =	vld @!p1 [tilespmem:s26+$0x0];
	_ =	sdelay $0x3  }
0x103: {  	s24 =	sshra.s32 @!p1 s24, $0x2  }
0x104: {  	s25 =	sand.u32 @!p1 $0xF00, s25;
	[tilespmem:s24+$0x1900] =	vst.add.f32.msk @!p1 $0xffff, v7  }
0x105: {  	v7 =	vld @!p1 [tilespmem:s25+$0x50];
	_ =	sdelay $0x4  }
0x106: {  	[tilespmem:s24+$0x1910] =	vst.add.f32.msk @!p1 $0xffff, v7  }
0x107: {  	v7 =	vld @!p1 [tilespmem:s25+$0x60];
	_ =	sdelay $0x4  }
0x108: {  	[tilespmem:s24+$0x1920] =	vst.add.f32.msk @!p1 $0xffff, v7  }
0x109: {  	v7 =	vld @!p1 [tilespmem:s25+$0x70];
	_ =	sdelay $0x4  }
0x10a: {  	[tilespmem:s24+$0x1930] =	vst.add.f32.msk @!p1 $0xffff, v7  }
0x10b: {  	v7 =	vld [tilespmem:s21+$0x0];
	_ =	sdelay $0x4  }
0x10c: {  	(v2sf) =	vpush v7, $0x0;
	_ =	sdelay $0xe  }
0x10d: {  	s24 =	spop (v2sf)  }
0x10e: {  	p1 =	seq.s32 s24, $0x400  }
0x10f: {  	s25 =	sadd.s32 @!p1 $0x80, s23;
	s24 =	sshll.u32 @!p1 s24, $0x8  }
0x110: {  	s25 =	sand.u32 @!p1 $0xF80, s25  }
0x111: {  	v7 =	vld @!p1 [tilespmem:s25+$0x0];
	_ =	sdelay $0x3  }
0x112: {  	s24 =	sshra.s32 @!p1 s24, $0x2  }
0x113: {  	[tilespmem:s24+$0x1900] =	vst.add.f32.msk @!p1 $0xffff, v7  }
0x114: {  	v7 =	vld @!p1 [tilespmem:s25+$0x10];
	_ =	sdelay $0x4  }
0x115: {  	[tilespmem:s24+$0x1910] =	vst.add.f32.msk @!p1 $0xffff, v7  }
0x116: {  	v7 =	vld @!p1 [tilespmem:s25+$0x20];
	_ =	sdelay $0x4  }
0x117: {  	[tilespmem:s24+$0x1920] =	vst.add.f32.msk @!p1 $0xffff, v7  }
0x118: {  	v7 =	vld @!p1 [tilespmem:s25+$0x30];
	_ =	sdelay $0x4  }
0x119: {  	[tilespmem:s24+$0x1930] =	vst.add.f32.msk @!p1 $0xffff, v7  }
0x11a: {  	v7 =	vld [tilespmem:s21+$0x1];
	_ =	sdelay $0x4  }
0x11b: {  	(v2sf) =	vpush v7, $0x0;
	_ =	sdelay $0xe  }
0x11c: {  	s24 =	spop (v2sf)  }
0x11d: {  	p1 =	seq.s32 s24, $0x400  }
0x11e: {  	s25 =	sand.u32 @!p1 $0xF00, s23;
	s23 =	sshll.u32 @!p1 s24, $0x8  }
0x11f: {  	v7 =	vld @!p1 [tilespmem:s25+$0xC0];
	_ =	sdelay $0x3  }
0x120: {  	s23 =	sshra.s32 @!p1 s23, $0x2  }
0x121: {  	[tilespmem:s23+$0x1900] =	vst.add.f32.msk @!p1 $0xffff, v7  }
0x122: {  	v7 =	vld @!p1 [tilespmem:s25+$0xD0];
	_ =	sdelay $0x4  }
0x123: {  	[tilespmem:s23+$0x1910] =	vst.add.f32.msk @!p1 $0xffff, v7  }
0x124: {  	v7 =	vld @!p1 [tilespmem:s25+$0xE0];
	_ =	sdelay $0x1  }
.Ltmp2:
0x125: {  	(pc) =	sbr.rel @p0 .LBB2_7-.Ltmp2, $3  }
0x126: {  	_ =	sdelay $0x1  }
0x127: {  	[tilespmem:s23+$0x1920] =	vst.add.f32.msk @!p1 $0xffff, v7  }
0x128: {  	v7 =	vld @!p1 [tilespmem:s25+$0xF0]  }
0x129: {  	_ =	sdelay $0x1  }
0x12a: {  	s19 =	sadd.s32 $0x1, s19  }
0x12b: {  	s20 =	sshll.u32 s20, $0xD;
	p0 =	sne.s32 s19, $0x8  }
.Ltmp3:
0x12c: {  	s20 =	sadd.s32 s8, s20;
	[tilespmem:s23+$0x1930] =	vst.add.f32.msk @!p1 $0xffff, v7;
	(pc) =	sbr.rel @p0 .LBB2_2-.Ltmp3, $4  }
0x12d: {  	[hbm4b:s20+s2] =	stream.linear.scatter [tilespmem:s16], [sflag:$0x1], $0x10000, $0x38;
	[tilespmem:$0x11E80] =	vst v63  }
0x12e: {  	_ =	swait.ge [sflag:s11], $0x10000  }
0x12f: {  	[sflag:s11] =	ssyncset.done $0x0  }
0x130: {  	s18 =	sadd.s32 $0x1, s18;
	[sflag:s11] =	ssyncadd.s32 $0xFFFF0000  }
0x131: {  	s17 =	sadd.s32 $0x1, s17  }
0x132: {  	p0 =	sne.s32 s17, s10  }
.Ltmp4:
0x133: {  	_ = 	snop;
	(pc) =	sbr.rel @p0 .LBB2_1-.Ltmp4, $1  }
0x134: {  	_ =	sdelay $0x3  }
0x135: {  	_ =	sfence.sel $0x180000  }
0x136: {  	[bflag:$0x0] =	sbarrier.arrive $0xFFFF  }
0x137: {  	p0 =	sne.s32 s5, $0x0;
	_ =	strace $0x90000047  }
0x138: {  	s0 =	sadd.s32 @!p0 $0x100000, s0;
	[bflag:$0x2] =	sbarrier.arrive $0xFFFF  }
0x139: {  	[sflag:s0] =	ssyncadd.tile.s32 @!p0 $0x1;
	_ =	shalt  }
.Lfunc_end2:
_tile_overlayer_lowered:
.L_overlay_start_2:
0x13a: {  	(tag) =	ssettag $0x2  }
0x13b: {  	s0 =	rddreg [dreg:$0x0];
	s2 =	stileid.u32  }
0x13c: {  	s1 =	rddreg [dreg:$0x1];
	p0 =	sne.s32 s2, $0x0  }
0x13d: {  	s3 =	rddreg [dreg:$0x2];
	[bflag:$0x3] =	sbarrier.arrive $0xFFFF;
	s2 =	simm.s32 @!p0 $0x1C01  }
0x13e: {  	[timem:s3], [sflag:s2] =	dma.local @!p0 [hbm:s0], s1  }
0x13f: {  	s0 =	simm.s32 @!p0 $0x1  }
0x140: {  	_ =	swait.ge @!p0 [sflag:s0], s1  }
0x141: {  	s1 =	ssub.s32 @!p0 $0x0, s1;
	[sflag:s0] =	ssyncset.done @!p0 $0x0  }
0x142: {  	[sflag:s0] =	ssyncadd.s32 @!p0 s1  }
0x143: {  	[bflag:$0x3] =	sbarrier.arrive $0xFFFF  }
0x144: {  	_ =	shalt  }

</sc_bundles>
